<compile_context>
chip_gen: v7x
topology: tpu7x:2x2x1
jax: 0.10.2.dev20260603
libtpu: 0.0.44.dev20260713+nightly
codegen_flags: <defaults>
</compile_context>

<pallas_src>
import functools

import jax
import jax.numpy as jnp
from jax import lax
from jax.experimental import pallas as pl
from jax.experimental.pallas import tpu as pltpu
from jax.experimental.pallas import tpu_sc as plsc

NC = 2
NS = 16
NW = NC * NS
L = 16
CH = 128
CHE = 80
CHG = 40



def _proj_body(h_ref, w1_ref, b1_ref, p1_ref, p2_ref, *, D):
    hh = h_ref[...]
    p1_ref[...] = jnp.dot(hh, w1_ref[0:D, :], preferred_element_type=jnp.float32)
    p2_ref[...] = (jnp.dot(hh, w1_ref[D:2 * D, :], preferred_element_type=jnp.float32)
                   + b1_ref[...])


def _msg_body(x_ref, ea_ref, w1c_ref, h_ref):
    y = x_ref[...] + jnp.dot(ea_ref[...], w1c_ref[...],
                             preferred_element_type=jnp.float32)
    h_ref[...] = jax.nn.gelu(y, approximate=True)


def _final_body(h_ref, hagg_ref, cnt_ref, w2_ref, b2_ref, g_ref, bt_ref, o_ref):
    hagg = hagg_ref[0] + hagg_ref[1]
    agg = jnp.dot(hagg, w2_ref[...], preferred_element_type=jnp.float32)
    cnt = cnt_ref[0] + cnt_ref[1]
    y = h_ref[...] + agg + cnt * b2_ref[...]
    mu = jnp.mean(y, axis=1, keepdims=True)
    var = jnp.mean((y - mu) ** 2, axis=1, keepdims=True)
    o_ref[...] = (y - mu) * lax.rsqrt(var + 1e-5) * g_ref[...] + bt_ref[...]



def _gather_body(p1_hbm, p2_hbm, srcp_hbm, dstp_hbm, x_hbm,
                 idxs, idxd, r1a, r2a, r1b, r2b,
                 g1a, g2a, g1b, g2b, wsa, wsb, *, K, D):
    cid = lax.axis_index("c")
    sid = lax.axis_index("s")
    wid = sid * NC + cid
    pltpu.sync_copy(srcp_hbm.at[wid], idxs)
    pltpu.sync_copy(dstp_hbm.at[wid], idxd)
    base = wid * (K * CHG)
    r1 = (r1a, r1b)
    r2 = (r2a, r2b)
    g1 = (g1a, g1b)
    g2 = (g2a, g2b)
    ws = (wsa, wsb)

    def start_gather(c, p):
        pltpu.async_copy(p1_hbm.at[idxs.at[c]], r1[p], g1[p])
        pltpu.async_copy(p2_hbm.at[idxd.at[c]], r2[p], g2[p])

    def wait_gather(c, p):
        pltpu.make_async_copy(p1_hbm.at[idxs.at[c]], r1[p], g1[p]).wait()
        pltpu.make_async_copy(p2_hbm.at[idxd.at[c]], r2[p], g2[p]).wait()

    def start_write(c, p):
        pltpu.async_copy(r1[p], x_hbm.at[pl.ds(base + c * CHG, CHG)], ws[p])

    def wait_write(c, p):
        pltpu.make_async_copy(r1[p], x_hbm.at[pl.ds(base + c * CHG, CHG)], ws[p]).wait()

    def add_rows(p):
        @pl.loop(0, CHG)
        def _row(rr):
            for cc in range(D // L):
                sl = pl.ds(cc * L, L)
                r1[p][rr, sl] = r1[p][rr, sl] + r2[p][rr, sl]

    start_gather(0, 0)

    @pl.loop(0, K, step=2)
    def _pair(c):
        wait_gather(c, 0)

        @pl.when(c > 0)
        def _():
            wait_write(c - 1, 1)
        start_gather(c + 1, 1)
        add_rows(0)
        start_write(c, 0)

        wait_gather(c + 1, 1)
        wait_write(c, 0)

        @pl.when(c + 2 < K)
        def _():
            start_gather(c + 2, 0)
        add_rows(1)
        start_write(c + 1, 1)

    wait_write(K - 1, 1)


def _scatter_body(hmsg_hbm, dstp_hbm, hagg_hbm, cnt_hbm,
                  idxd, hbufa, hbufb, ones, zc, ra, rb, sca, scb, cca, ccb,
                  hagg_sh, cnt_sh, *, K, D, NR):
    cid = lax.axis_index("c")
    sid = lax.axis_index("s")
    wid = sid * NC + cid
    zeros16 = jnp.zeros((L,), jnp.float32)
    hbuf = (hbufa, hbufb)
    rs = (ra, rb)
    ss = (sca, scb)
    cs = (cca, ccb)

    @pl.loop(0, CHE)
    def _z(rr):
        for cc in range(D // L):
            hbufa[rr, pl.ds(cc * L, L)] = zeros16
    for cc in range(CHE // L):
        zc[pl.ds(cc * L, L)] = zeros16
        ones[pl.ds(cc * L, L)] = zeros16 + 1.0

    rows_per_sub = NR // NS
    for k in range(rows_per_sub // CHE):
        row = sid * rows_per_sub + k * CHE
        pltpu.sync_copy(hbufa, hagg_sh.at[pl.ds(row, CHE)])
        pltpu.sync_copy(zc, cnt_sh.at[pl.ds(row, CHE)])
    plsc.subcore_barrier()

    pltpu.sync_copy(dstp_hbm.at[wid], idxd)
    base = wid * (K * CHE)

    def start_read(c, p):
        pltpu.async_copy(hmsg_hbm.at[pl.ds(base + c * CHE, CHE)], hbuf[p], rs[p])

    def wait_read(c, p):
        pltpu.make_async_copy(hmsg_hbm.at[pl.ds(base + c * CHE, CHE)], hbuf[p], rs[p]).wait()

    def start_scatter(c, p):
        pltpu.async_copy(hbuf[p], hagg_sh.at[idxd.at[c]], ss[p], add=True)
        pltpu.async_copy(ones, cnt_sh.at[idxd.at[c]], cs[p], add=True)

    def wait_scatter(c, p):
        pltpu.make_async_copy(hbuf[p], hagg_sh.at[idxd.at[c]], ss[p]).wait()
        pltpu.make_async_copy(ones, cnt_sh.at[idxd.at[c]], cs[p]).wait()

    start_read(0, 0)

    @pl.loop(0, K - 1, step=2)
    def _pair(c):
        wait_read(c, 0)

        @pl.when(c > 0)
        def _():
            wait_scatter(c - 1, 1)
        start_read(c + 1, 1)
        start_scatter(c, 0)

        wait_read(c + 1, 1)
        wait_scatter(c, 0)
        start_read(c + 2, 0)
        start_scatter(c + 1, 1)

    wait_read(K - 1, 0)
    wait_scatter(K - 2, 1)
    start_scatter(K - 1, 0)
    wait_scatter(K - 1, 0)

    plsc.subcore_barrier()

    for k in range(rows_per_sub // CH):
        row = sid * rows_per_sub + k * CH
        pltpu.sync_copy(hagg_sh.at[pl.ds(row, CH)], hagg_hbm.at[cid].at[pl.ds(row, CH)])
        pltpu.sync_copy(cnt_sh.at[pl.ds(row, CH)], cnt_hbm.at[cid].at[pl.ds(row, CH)])



def kernel(h, src, dst, edge_attr, W1, b1, W2, b2, gamma, beta):
    N, D = h.shape
    E = src.shape[0]
    ED = edge_attr.shape[1]
    assert E % NW == 0
    Ew = E // NW
    assert Ew % CHE == 0
    K = Ew // CHE
    NR = NS * CH * (-(-(N + 1) // (NS * CH)))

    assert Ew % CHG == 0
    KG = Ew // CHG
    src = src.astype(jnp.int32)
    dst = dst.astype(jnp.int32)
    srcg = src.reshape(NW, KG, CHG)
    dstg = dst.reshape(NW, KG, CHG)
    dsts = dst.reshape(NW, K, CHE)
    hp = jnp.pad(h, ((0, NR - N), (0, 0)))

    P1, P2 = pl.pallas_call(
        functools.partial(_proj_body, D=D),
        out_shape=[jax.ShapeDtypeStruct((N, D), jnp.float32),
                   jax.ShapeDtypeStruct((N, D), jnp.float32)],
    )(h, W1, b1.reshape(1, D))

    mesh = plsc.VectorSubcoreMesh(core_axis_name="c", subcore_axis_name="s",
                                  num_cores=NC, num_subcores=NS)
    X = pl.kernel(
        functools.partial(_gather_body, K=KG, D=D),
        out_type=jax.ShapeDtypeStruct((E, D), jnp.float32),
        mesh=mesh,
        scratch_types=[
            pltpu.VMEM((KG, CHG), jnp.int32),
            pltpu.VMEM((KG, CHG), jnp.int32),
            pltpu.VMEM((CHG, D), jnp.float32),
            pltpu.VMEM((CHG, D), jnp.float32),
            pltpu.VMEM((CHG, D), jnp.float32),
            pltpu.VMEM((CHG, D), jnp.float32),
            pltpu.SemaphoreType.DMA,
            pltpu.SemaphoreType.DMA,
            pltpu.SemaphoreType.DMA,
            pltpu.SemaphoreType.DMA,
            pltpu.SemaphoreType.DMA,
            pltpu.SemaphoreType.DMA,
        ],
    )(P1, P2, srcg, dstg)

    BR = 2000
    assert E % BR == 0
    Hm = pl.pallas_call(
        _msg_body,
        grid=(E // BR,),
        in_specs=[
            pl.BlockSpec((BR, D), lambda i: (i, 0)),
            pl.BlockSpec((BR, ED), lambda i: (i, 0)),
            pl.BlockSpec((ED, D), lambda i: (0, 0)),
        ],
        out_specs=pl.BlockSpec((BR, D), lambda i: (i, 0)),
        out_shape=jax.ShapeDtypeStruct((E, D), jnp.float32),
    )(X, edge_attr, W1[2 * D:, :])

    hagg2, cnt2 = pl.kernel(
        functools.partial(_scatter_body, K=K, D=D, NR=NR),
        out_type=[jax.ShapeDtypeStruct((NC, NR, D), jnp.float32),
                  jax.ShapeDtypeStruct((NC, NR), jnp.float32)],
        mesh=mesh,
        scratch_types=[
            pltpu.VMEM((K, CHE), jnp.int32),
            pltpu.VMEM((CHE, D), jnp.float32),
            pltpu.VMEM((CHE, D), jnp.float32),
            pltpu.VMEM((CHE,), jnp.float32),
            pltpu.VMEM((CHE,), jnp.float32),
            pltpu.SemaphoreType.DMA,
            pltpu.SemaphoreType.DMA,
            pltpu.SemaphoreType.DMA,
            pltpu.SemaphoreType.DMA,
            pltpu.SemaphoreType.DMA,
            pltpu.SemaphoreType.DMA,
            pltpu.VMEM_SHARED((NR, D), jnp.float32),
            pltpu.VMEM_SHARED((NR,), jnp.float32),
        ],
    )(Hm, dsts)

    outp = pl.pallas_call(
        _final_body,
        out_shape=jax.ShapeDtypeStruct((NR, D), jnp.float32),
    )(hp, hagg2, cnt2.reshape(NC, NR, 1), W2, b2.reshape(1, D),
      gamma.reshape(1, D), beta.reshape(1, D))

    return outp[:N]

# --- scband reference (transcript-rebuilt; emitter-appended) ---
"""Pipeline reference for scband-edge-message-block-31739808318048 (READ-ONLY COPY).

The authoritative reference and input builder live on the scoring server;
editing this copy changes nothing except your own understanding.
"""

import jax, jax.numpy as jnp
import numpy as np

N, E, D, ED = 10000, 320000, 128, 16
IN_DIM = 2 * D + ED

def setup_inputs(seed: int = 0):
    key = jax.random.key(seed)
    ks = jax.random.split(key, 8)
    h = jax.random.normal(ks[0], (N, D), dtype=jnp.float32)
    src = jax.random.randint(ks[1], (E,), 0, N)
    dst = jax.random.randint(ks[2], (E,), 0, N)
    edge_attr = jax.random.normal(ks[3], (E, ED), dtype=jnp.float32)
    W1 = jax.random.normal(ks[4], (IN_DIM, D), dtype=jnp.float32) * 0.02
    b1 = jnp.zeros((D,), dtype=jnp.float32)
    W2 = jax.random.normal(ks[5], (D, D), dtype=jnp.float32) * 0.02
    b2 = jnp.zeros((D,), dtype=jnp.float32)
    gamma = jnp.ones((D,), dtype=jnp.float32)
    beta = jnp.zeros((D,), dtype=jnp.float32)
    return {"h": h, "src": src, "dst": dst, "edge_attr": edge_attr,
            "W1": W1, "b1": b1, "W2": W2, "b2": b2, "gamma": gamma, "beta": beta}

def _layernorm(y, gamma, beta, eps=1e-5):
    mu = jnp.mean(y, axis=-1, keepdims=True)
    var = jnp.mean((y - mu) ** 2, axis=-1, keepdims=True)
    return (y - mu) / jnp.sqrt(var + eps) * gamma + beta

def reference(h, src, dst, edge_attr, W1, b1, W2, b2, gamma, beta):
    # pieces = [h[src], h[dst], edge_attr]
    x = jnp.concatenate([jnp.take(h, src, axis=0), jnp.take(h, dst, axis=0), edge_attr], axis=-1)
    # msg MLP: Linear -> GELU (exact, torch default) -> Dropout(0) -> Linear
    hmid = jax.nn.gelu(x @ W1 + b1, approximate=False)
    messages = hmid @ W2 + b2
    # agg = zeros; agg.index_add_(0, dst, messages)
    agg = jnp.zeros_like(h).at[dst].add(messages)
    return _layernorm(h + agg, gamma, beta)

if __name__ == "__main__":
    import jax
    _d = setup_inputs()
    print(jax.jit(kernel)(*tuple(_d.values())))

</pallas_src>

<mosaic_0001>
#map = affine_map<(d0, d1) -> (0, 0)>
#map1 = affine_map<(d0, d1) -> (0, 0, 0)>
module attributes {stable_mosaic.version = 14 : i64} {
  func.func @_scatter_body(%arg0: i32, %arg1: i32, %arg2: memref<320000x128xf32, #tpu.memory_space<hbm>>, %arg3: memref<32x125x80xi32, #tpu.memory_space<hbm>>, %arg4: memref<2x10240x128xf32, #tpu.memory_space<hbm>>, %arg5: memref<2x10240xf32, #tpu.memory_space<hbm>>, %arg6: memref<125x80xi32, #tpu.memory_space<vmem>>, %arg7: memref<80x128xf32, #tpu.memory_space<vmem>>, %arg8: memref<80x128xf32, #tpu.memory_space<vmem>>, %arg9: memref<80xf32, #tpu.memory_space<vmem>>, %arg10: memref<80xf32, #tpu.memory_space<vmem>>, %arg11: memref<!tpu.dma_semaphore, #tpu.memory_space<semaphore_mem>>, %arg12: memref<!tpu.dma_semaphore, #tpu.memory_space<semaphore_mem>>, %arg13: memref<!tpu.dma_semaphore, #tpu.memory_space<semaphore_mem>>, %arg14: memref<!tpu.dma_semaphore, #tpu.memory_space<semaphore_mem>>, %arg15: memref<!tpu.dma_semaphore, #tpu.memory_space<semaphore_mem>>, %arg16: memref<!tpu.dma_semaphore, #tpu.memory_space<semaphore_mem>>, %arg17: memref<10240x128xf32, #tpu.memory_space<vmem_shared>>, %arg18: memref<10240xf32, #tpu.memory_space<vmem_shared>>) attributes {dimension_semantics = [#tpu.dimension_semantics<core_parallel>, #tpu.dimension_semantics<subcore_parallel>], iteration_bounds = array<i64: 2, 16>, scalar_prefetch = 0 : i64, scratch_operands = 13 : i64, tpu.core_type = #tpu.core_type<sc_vector_subcore>, window_params = [{transform_indices = #map}, {transform_indices = #map1}, {transform_indices = #map1}, {transform_indices = #map}]} {
    %mul3A = arith.constant 2 : i32
    %mul3A_0 = arith.muli %arg1, %mul3A : i32
    %add3A = arith.addi %mul3A_0, %arg0 : i32
    %broadcast_in_dim3A = arith.constant 0.000000e+00 : f32
    %broadcast_in_dim3A_1 = vector.broadcast %broadcast_in_dim3A : f32 to vector<16xf32>
    %scan3A = arith.constant 0 : i32
    %scan3A_2 = arith.constant 80 : i32
    %scan3A_3 = arith.addi %scan3A, %scan3A_2 : i32
    %scan3A_4 = arith.constant 1 : i32
    scf.for %scan3A_169 = %scan3A to %scan3A_3 step %scan3A_4  : i32 {
      %mul3A_170 = arith.constant 1 : i32
      %mul3A_171 = arith.muli %scan3A_169, %mul3A_170 : i32
      %add3A_172 = arith.constant 0 : i32
      %add3A_173 = arith.addi %add3A_172, %mul3A_171 : i32
      %swap3A_174 = arith.index_cast %add3A_173 : i32 to index
      %swap3A_175 = arith.constant 0 : index
      %swap3A_176 = tpu.vector_load %arg7[%swap3A_174, %swap3A_175] {strides = array<i32>} : memref<80x128xf32, #tpu.memory_space<vmem>>, vector<1x16xf32>,
      %swap3A_177 = vector.shape_cast %swap3A_176 : vector<1x16xf32> to vector<16xf32>
      %swap3A_178 = vector.shape_cast %broadcast_in_dim3A_1 : vector<16xf32> to vector<1x16xf32>
      tpu.vector_store %arg7[%swap3A_174, %swap3A_175], %swap3A_178 {strides = array<i32>} : memref<80x128xf32, #tpu.memory_space<vmem>>, vector<1x16xf32>,
      %swap3A_179 = arith.index_cast %add3A_173 : i32 to index
      %swap3A_180 = arith.constant 16 : index
      %swap3A_181 = tpu.vector_load %arg7[%swap3A_179, %swap3A_180] {strides = array<i32>} : memref<80x128xf32, #tpu.memory_space<vmem>>, vector<1x16xf32>,
      %swap3A_182 = vector.shape_cast %swap3A_181 : vector<1x16xf32> to vector<16xf32>
      %swap3A_183 = vector.shape_cast %broadcast_in_dim3A_1 : vector<16xf32> to vector<1x16xf32>
      tpu.vector_store %arg7[%swap3A_179, %swap3A_180], %swap3A_183 {strides = array<i32>} : memref<80x128xf32, #tpu.memory_space<vmem>>, vector<1x16xf32>,
      %swap3A_184 = arith.index_cast %add3A_173 : i32 to index
      %swap3A_185 = arith.constant 32 : index
      %swap3A_186 = tpu.vector_load %arg7[%swap3A_184, %swap3A_185] {strides = array<i32>} : memref<80x128xf32, #tpu.memory_space<vmem>>, vector<1x16xf32>,
      %swap3A_187 = vector.shape_cast %swap3A_186 : vector<1x16xf32> to vector<16xf32>
      %swap3A_188 = vector.shape_cast %broadcast_in_dim3A_1 : vector<16xf32> to vector<1x16xf32>
      tpu.vector_store %arg7[%swap3A_184, %swap3A_185], %swap3A_188 {strides = array<i32>} : memref<80x128xf32, #tpu.memory_space<vmem>>, vector<1x16xf32>,
      %swap3A_189 = arith.index_cast %add3A_173 : i32 to index
      %swap3A_190 = arith.constant 48 : index
      %swap3A_191 = tpu.vector_load %arg7[%swap3A_189, %swap3A_190] {strides = array<i32>} : memref<80x128xf32, #tpu.memory_space<vmem>>, vector<1x16xf32>,
      %swap3A_192 = vector.shape_cast %swap3A_191 : vector<1x16xf32> to vector<16xf32>
      %swap3A_193 = vector.shape_cast %broadcast_in_dim3A_1 : vector<16xf32> to vector<1x16xf32>
      tpu.vector_store %arg7[%swap3A_189, %swap3A_190], %swap3A_193 {strides = array<i32>} : memref<80x128xf32, #tpu.memory_space<vmem>>, vector<1x16xf32>,
      %swap3A_194 = arith.index_cast %add3A_173 : i32 to index
      %swap3A_195 = arith.constant 64 : index
      %swap3A_196 = tpu.vector_load %arg7[%swap3A_194, %swap3A_195] {strides = array<i32>} : memref<80x128xf32, #tpu.memory_space<vmem>>, vector<1x16xf32>,
      %swap3A_197 = vector.shape_cast %swap3A_196 : vector<1x16xf32> to vector<16xf32>
      %swap3A_198 = vector.shape_cast %broadcast_in_dim3A_1 : vector<16xf32> to vector<1x16xf32>
      tpu.vector_store %arg7[%swap3A_194, %swap3A_195], %swap3A_198 {strides = array<i32>} : memref<80x128xf32, #tpu.memory_space<vmem>>, vector<1x16xf32>,
      %swap3A_199 = arith.index_cast %add3A_173 : i32 to index
      %swap3A_200 = arith.constant 80 : index
      %swap3A_201 = tpu.vector_load %arg7[%swap3A_199, %swap3A_200] {strides = array<i32>} : memref<80x128xf32, #tpu.memory_space<vmem>>, vector<1x16xf32>,
      %swap3A_202 = vector.shape_cast %swap3A_201 : vector<1x16xf32> to vector<16xf32>
      %swap3A_203 = vector.shape_cast %broadcast_in_dim3A_1 : vector<16xf32> to vector<1x16xf32>
      tpu.vector_store %arg7[%swap3A_199, %swap3A_200], %swap3A_203 {strides = array<i32>} : memref<80x128xf32, #tpu.memory_space<vmem>>, vector<1x16xf32>,
      %swap3A_204 = arith.index_cast %add3A_173 : i32 to index
      %swap3A_205 = arith.constant 96 : index
      %swap3A_206 = tpu.vector_load %arg7[%swap3A_204, %swap3A_205] {strides = array<i32>} : memref<80x128xf32, #tpu.memory_space<vmem>>, vector<1x16xf32>,
      %swap3A_207 = vector.shape_cast %swap3A_206 : vector<1x16xf32> to vector<16xf32>
      %swap3A_208 = vector.shape_cast %broadcast_in_dim3A_1 : vector<16xf32> to vector<1x16xf32>
      tpu.vector_store %arg7[%swap3A_204, %swap3A_205], %swap3A_208 {strides = array<i32>} : memref<80x128xf32, #tpu.memory_space<vmem>>, vector<1x16xf32>,
      %swap3A_209 = arith.index_cast %add3A_173 : i32 to index
      %swap3A_210 = arith.constant 112 : index
      %swap3A_211 = tpu.vector_load %arg7[%swap3A_209, %swap3A_210] {strides = array<i32>} : memref<80x128xf32, #tpu.memory_space<vmem>>, vector<1x16xf32>,
      %swap3A_212 = vector.shape_cast %swap3A_211 : vector<1x16xf32> to vector<16xf32>
      %swap3A_213 = vector.shape_cast %broadcast_in_dim3A_1 : vector<16xf32> to vector<1x16xf32>
      tpu.vector_store %arg7[%swap3A_209, %swap3A_210], %swap3A_213 {strides = array<i32>} : memref<80x128xf32, #tpu.memory_space<vmem>>, vector<1x16xf32>,
    }
    %scan3A_5 = arith.constant 80 : i32
    %swap3A = arith.constant 0 : index
    %swap3A_6 = tpu.vector_load %arg10[%swap3A] {strides = array<i32>} : memref<80xf32, #tpu.memory_space<vmem>>, vector<16xf32>,
    %swap3A_7 = vector.shape_cast %swap3A_6 : vector<16xf32> to vector<16xf32>
    %swap3A_8 = vector.shape_cast %broadcast_in_dim3A_1 : vector<16xf32> to vector<16xf32>
    tpu.vector_store %arg10[%swap3A], %swap3A_8 {strides = array<i32>} : memref<80xf32, #tpu.memory_space<vmem>>, vector<16xf32>,
    %add3A_9 = arith.constant 1.000000e+00 : f32
    %add3A_10 = vector.broadcast %add3A_9 : f32 to vector<16xf32>
    %add3A_11 = arith.addf %broadcast_in_dim3A_1, %add3A_10 : vector<16xf32>
    %swap3A_12 = arith.constant 0 : index
    %swap3A_13 = tpu.vector_load %arg9[%swap3A_12] {strides = array<i32>} : memref<80xf32, #tpu.memory_space<vmem>>, vector<16xf32>,
    %swap3A_14 = vector.shape_cast %swap3A_13 : vector<16xf32> to vector<16xf32>
    %swap3A_15 = vector.shape_cast %add3A_11 : vector<16xf32> to vector<16xf32>
    tpu.vector_store %arg9[%swap3A_12], %swap3A_15 {strides = array<i32>} : memref<80xf32, #tpu.memory_space<vmem>>, vector<16xf32>,
    %swap3A_16 = arith.constant 16 : index
    %swap3A_17 = tpu.vector_load %arg10[%swap3A_16] {strides = array<i32>} : memref<80xf32, #tpu.memory_space<vmem>>, vector<16xf32>,
    %swap3A_18 = vector.shape_cast %swap3A_17 : vector<16xf32> to vector<16xf32>
    %swap3A_19 = vector.shape_cast %broadcast_in_dim3A_1 : vector<16xf32> to vector<16xf32>
    tpu.vector_store %arg10[%swap3A_16], %swap3A_19 {strides = array<i32>} : memref<80xf32, #tpu.memory_space<vmem>>, vector<16xf32>,
    %add3A_20 = arith.constant 1.000000e+00 : f32
    %add3A_21 = vector.broadcast %add3A_20 : f32 to vector<16xf32>
    %add3A_22 = arith.addf %broadcast_in_dim3A_1, %add3A_21 : vector<16xf32>
    %swap3A_23 = arith.constant 16 : index
    %swap3A_24 = tpu.vector_load %arg9[%swap3A_23] {strides = array<i32>} : memref<80xf32, #tpu.memory_space<vmem>>, vector<16xf32>,
    %swap3A_25 = vector.shape_cast %swap3A_24 : vector<16xf32> to vector<16xf32>
    %swap3A_26 = vector.shape_cast %add3A_22 : vector<16xf32> to vector<16xf32>
    tpu.vector_store %arg9[%swap3A_23], %swap3A_26 {strides = array<i32>} : memref<80xf32, #tpu.memory_space<vmem>>, vector<16xf32>,
    %swap3A_27 = arith.constant 32 : index
    %swap3A_28 = tpu.vector_load %arg10[%swap3A_27] {strides = array<i32>} : memref<80xf32, #tpu.memory_space<vmem>>, vector<16xf32>,
    %swap3A_29 = vector.shape_cast %swap3A_28 : vector<16xf32> to vector<16xf32>
    %swap3A_30 = vector.shape_cast %broadcast_in_dim3A_1 : vector<16xf32> to vector<16xf32>
    tpu.vector_store %arg10[%swap3A_27], %swap3A_30 {strides = array<i32>} : memref<80xf32, #tpu.memory_space<vmem>>, vector<16xf32>,
    %add3A_31 = arith.constant 1.000000e+00 : f32
    %add3A_32 = vector.broadcast %add3A_31 : f32 to vector<16xf32>
    %add3A_33 = arith.addf %broadcast_in_dim3A_1, %add3A_32 : vector<16xf32>
    %swap3A_34 = arith.constant 32 : index
    %swap3A_35 = tpu.vector_load %arg9[%swap3A_34] {strides = array<i32>} : memref<80xf32, #tpu.memory_space<vmem>>, vector<16xf32>,
    %swap3A_36 = vector.shape_cast %swap3A_35 : vector<16xf32> to vector<16xf32>
    %swap3A_37 = vector.shape_cast %add3A_33 : vector<16xf32> to vector<16xf32>
    tpu.vector_store %arg9[%swap3A_34], %swap3A_37 {strides = array<i32>} : memref<80xf32, #tpu.memory_space<vmem>>, vector<16xf32>,
    %swap3A_38 = arith.constant 48 : index
    %swap3A_39 = tpu.vector_load %arg10[%swap3A_38] {strides = array<i32>} : memref<80xf32, #tpu.memory_space<vmem>>, vector<16xf32>,
    %swap3A_40 = vector.shape_cast %swap3A_39 : vector<16xf32> to vector<16xf32>
    %swap3A_41 = vector.shape_cast %broadcast_in_dim3A_1 : vector<16xf32> to vector<16xf32>
    tpu.vector_store %arg10[%swap3A_38], %swap3A_41 {strides = array<i32>} : memref<80xf32, #tpu.memory_space<vmem>>, vector<16xf32>,
    %add3A_42 = arith.constant 1.000000e+00 : f32
    %add3A_43 = vector.broadcast %add3A_42 : f32 to vector<16xf32>
    %add3A_44 = arith.addf %broadcast_in_dim3A_1, %add3A_43 : vector<16xf32>
    %swap3A_45 = arith.constant 48 : index
    %swap3A_46 = tpu.vector_load %arg9[%swap3A_45] {strides = array<i32>} : memref<80xf32, #tpu.memory_space<vmem>>, vector<16xf32>,
    %swap3A_47 = vector.shape_cast %swap3A_46 : vector<16xf32> to vector<16xf32>
    %swap3A_48 = vector.shape_cast %add3A_44 : vector<16xf32> to vector<16xf32>
    tpu.vector_store %arg9[%swap3A_45], %swap3A_48 {strides = array<i32>} : memref<80xf32, #tpu.memory_space<vmem>>, vector<16xf32>,
    %swap3A_49 = arith.constant 64 : index
    %swap3A_50 = tpu.vector_load %arg10[%swap3A_49] {strides = array<i32>} : memref<80xf32, #tpu.memory_space<vmem>>, vector<16xf32>,
    %swap3A_51 = vector.shape_cast %swap3A_50 : vector<16xf32> to vector<16xf32>
    %swap3A_52 = vector.shape_cast %broadcast_in_dim3A_1 : vector<16xf32> to vector<16xf32>
    tpu.vector_store %arg10[%swap3A_49], %swap3A_52 {strides = array<i32>} : memref<80xf32, #tpu.memory_space<vmem>>, vector<16xf32>,
    %add3A_53 = arith.constant 1.000000e+00 : f32
    %add3A_54 = vector.broadcast %add3A_53 : f32 to vector<16xf32>
    %add3A_55 = arith.addf %broadcast_in_dim3A_1, %add3A_54 : vector<16xf32>
    %swap3A_56 = arith.constant 64 : index
    %swap3A_57 = tpu.vector_load %arg9[%swap3A_56] {strides = array<i32>} : memref<80xf32, #tpu.memory_space<vmem>>, vector<16xf32>,
    %swap3A_58 = vector.shape_cast %swap3A_57 : vector<16xf32> to vector<16xf32>
    %swap3A_59 = vector.shape_cast %add3A_55 : vector<16xf32> to vector<16xf32>
    tpu.vector_store %arg9[%swap3A_56], %swap3A_59 {strides = array<i32>} : memref<80xf32, #tpu.memory_space<vmem>>, vector<16xf32>,
    %mul3A_60 = arith.constant 640 : i32
    %mul3A_61 = arith.muli %arg1, %mul3A_60 : i32
    %add3A_62 = arith.constant 0 : i32
    %add3A_63 = arith.addi %mul3A_61, %add3A_62 : i32
    "tpu.region"() ({
      %run_scoped3A = tpu.sem_alloc : memref<!tpu.dma_semaphore, #tpu.memory_space<semaphore_mem>>
      %dma_start3A_169 = arith.constant 0 : i32
      %dma_start3A_170 = tpu.memref_slice %arg17[%add3A_63, %dma_start3A_169] : memref<10240x128xf32, #tpu.memory_space<vmem_shared>> -> memref<80x128xf32, #tpu.memory_space<vmem_shared>>
      %dma_start3A_171 = arith.constant 0 : i32
      %dma_start3A_172 = tpu.memref_slice %arg17[%add3A_63, %dma_start3A_171] : memref<10240x128xf32, #tpu.memory_space<vmem_shared>> -> memref<80x128xf32, #tpu.memory_space<vmem_shared>>
      tpu.enqueue_dma source(%arg7 : memref<80x128xf32, #tpu.memory_space<vmem>>) target(%dma_start3A_172 : memref<80x128xf32, #tpu.memory_space<vmem_shared>>) target_semaphore(%run_scoped3A : memref<!tpu.dma_semaphore, #tpu.memory_space<semaphore_mem>>)
      %dma_wait3A_173 = arith.constant 0 : i32
      %dma_wait3A_174 = tpu.memref_slice %arg17[%add3A_63, %dma_wait3A_173] : memref<10240x128xf32, #tpu.memory_space<vmem_shared>> -> memref<80x128xf32, #tpu.memory_space<vmem_shared>>
      %dma_wait3A_175 = arith.constant 0 : i32
      %dma_wait3A_176 = tpu.memref_slice %arg17[%add3A_63, %dma_wait3A_175] : memref<10240x128xf32, #tpu.memory_space<vmem_shared>> -> memref<80x128xf32, #tpu.memory_space<vmem_shared>>
      tpu.wait_dma2 semaphore(%run_scoped3A : memref<!tpu.dma_semaphore, #tpu.memory_space<semaphore_mem>>) src(%arg7 : memref<80x128xf32, #tpu.memory_space<vmem>>) dst(%dma_wait3A_176 : memref<80x128xf32, #tpu.memory_space<vmem_shared>>)
      tpu.yield
    }) : () -> ()
    "tpu.region"() ({
      %run_scoped3A = tpu.sem_alloc : memref<!tpu.dma_semaphore, #tpu.memory_space<semaphore_mem>>
      %dma_start3A_169 = tpu.memref_slice %arg18[%add3A_63] : memref<10240xf32, #tpu.memory_space<vmem_shared>> -> memref<80xf32, #tpu.memory_space<vmem_shared>>
      %dma_start3A_170 = tpu.memref_slice %arg18[%add3A_63] : memref<10240xf32, #tpu.memory_space<vmem_shared>> -> memref<80xf32, #tpu.memory_space<vmem_shared>>
      tpu.enqueue_dma source(%arg10 : memref<80xf32, #tpu.memory_space<vmem>>) target(%dma_start3A_170 : memref<80xf32, #tpu.memory_space<vmem_shared>>) target_semaphore(%run_scoped3A : memref<!tpu.dma_semaphore, #tpu.memory_space<semaphore_mem>>)
      %dma_wait3A_171 = tpu.memref_slice %arg18[%add3A_63] : memref<10240xf32, #tpu.memory_space<vmem_shared>> -> memref<80xf32, #tpu.memory_space<vmem_shared>>
      %dma_wait3A_172 = tpu.memref_slice %arg18[%add3A_63] : memref<10240xf32, #tpu.memory_space<vmem_shared>> -> memref<80xf32, #tpu.memory_space<vmem_shared>>
      tpu.wait_dma2 semaphore(%run_scoped3A : memref<!tpu.dma_semaphore, #tpu.memory_space<semaphore_mem>>) src(%arg10 : memref<80xf32, #tpu.memory_space<vmem>>) dst(%dma_wait3A_172 : memref<80xf32, #tpu.memory_space<vmem_shared>>)
      tpu.yield
    }) : () -> ()
    %mul3A_64 = arith.constant 640 : i32
    %mul3A_65 = arith.muli %arg1, %mul3A_64 : i32
    %add3A_66 = arith.constant 80 : i32
    %add3A_67 = arith.addi %mul3A_65, %add3A_66 : i32
    "tpu.region"() ({
      %run_scoped3A = tpu.sem_alloc : memref<!tpu.dma_semaphore, #tpu.memory_space<semaphore_mem>>
      %dma_start3A_169 = arith.constant 0 : i32
      %dma_start3A_170 = tpu.memref_slice %arg17[%add3A_67, %dma_start3A_169] : memref<10240x128xf32, #tpu.memory_space<vmem_shared>> -> memref<80x128xf32, #tpu.memory_space<vmem_shared>>
      %dma_start3A_171 = arith.constant 0 : i32
      %dma_start3A_172 = tpu.memref_slice %arg17[%add3A_67, %dma_start3A_171] : memref<10240x128xf32, #tpu.memory_space<vmem_shared>> -> memref<80x128xf32, #tpu.memory_space<vmem_shared>>
      tpu.enqueue_dma source(%arg7 : memref<80x128xf32, #tpu.memory_space<vmem>>) target(%dma_start3A_172 : memref<80x128xf32, #tpu.memory_space<vmem_shared>>) target_semaphore(%run_scoped3A : memref<!tpu.dma_semaphore, #tpu.memory_space<semaphore_mem>>)
      %dma_wait3A_173 = arith.constant 0 : i32
      %dma_wait3A_174 = tpu.memref_slice %arg17[%add3A_67, %dma_wait3A_173] : memref<10240x128xf32, #tpu.memory_space<vmem_shared>> -> memref<80x128xf32, #tpu.memory_space<vmem_shared>>
      %dma_wait3A_175 = arith.constant 0 : i32
      %dma_wait3A_176 = tpu.memref_slice %arg17[%add3A_67, %dma_wait3A_175] : memref<10240x128xf32, #tpu.memory_space<vmem_shared>> -> memref<80x128xf32, #tpu.memory_space<vmem_shared>>
      tpu.wait_dma2 semaphore(%run_scoped3A : memref<!tpu.dma_semaphore, #tpu.memory_space<semaphore_mem>>) src(%arg7 : memref<80x128xf32, #tpu.memory_space<vmem>>) dst(%dma_wait3A_176 : memref<80x128xf32, #tpu.memory_space<vmem_shared>>)
      tpu.yield
    }) : () -> ()
    "tpu.region"() ({
      %run_scoped3A = tpu.sem_alloc : memref<!tpu.dma_semaphore, #tpu.memory_space<semaphore_mem>>
      %dma_start3A_169 = tpu.memref_slice %arg18[%add3A_67] : memref<10240xf32, #tpu.memory_space<vmem_shared>> -> memref<80xf32, #tpu.memory_space<vmem_shared>>
      %dma_start3A_170 = tpu.memref_slice %arg18[%add3A_67] : memref<10240xf32, #tpu.memory_space<vmem_shared>> -> memref<80xf32, #tpu.memory_space<vmem_shared>>
      tpu.enqueue_dma source(%arg10 : memref<80xf32, #tpu.memory_space<vmem>>) target(%dma_start3A_170 : memref<80xf32, #tpu.memory_space<vmem_shared>>) target_semaphore(%run_scoped3A : memref<!tpu.dma_semaphore, #tpu.memory_space<semaphore_mem>>)
      %dma_wait3A_171 = tpu.memref_slice %arg18[%add3A_67] : memref<10240xf32, #tpu.memory_space<vmem_shared>> -> memref<80xf32, #tpu.memory_space<vmem_shared>>
      %dma_wait3A_172 = tpu.memref_slice %arg18[%add3A_67] : memref<10240xf32, #tpu.memory_space<vmem_shared>> -> memref<80xf32, #tpu.memory_space<vmem_shared>>
      tpu.wait_dma2 semaphore(%run_scoped3A : memref<!tpu.dma_semaphore, #tpu.memory_space<semaphore_mem>>) src(%arg10 : memref<80xf32, #tpu.memory_space<vmem>>) dst(%dma_wait3A_172 : memref<80xf32, #tpu.memory_space<vmem_shared>>)
      tpu.yield
    }) : () -> ()
    %mul3A_68 = arith.constant 640 : i32
    %mul3A_69 = arith.muli %arg1, %mul3A_68 : i32
    %add3A_70 = arith.constant 160 : i32
    %add3A_71 = arith.addi %mul3A_69, %add3A_70 : i32
    "tpu.region"() ({
      %run_scoped3A = tpu.sem_alloc : memref<!tpu.dma_semaphore, #tpu.memory_space<semaphore_mem>>
      %dma_start3A_169 = arith.constant 0 : i32
      %dma_start3A_170 = tpu.memref_slice %arg17[%add3A_71, %dma_start3A_169] : memref<10240x128xf32, #tpu.memory_space<vmem_shared>> -> memref<80x128xf32, #tpu.memory_space<vmem_shared>>
      %dma_start3A_171 = arith.constant 0 : i32
      %dma_start3A_172 = tpu.memref_slice %arg17[%add3A_71, %dma_start3A_171] : memref<10240x128xf32, #tpu.memory_space<vmem_shared>> -> memref<80x128xf32, #tpu.memory_space<vmem_shared>>
      tpu.enqueue_dma source(%arg7 : memref<80x128xf32, #tpu.memory_space<vmem>>) target(%dma_start3A_172 : memref<80x128xf32, #tpu.memory_space<vmem_shared>>) target_semaphore(%run_scoped3A : memref<!tpu.dma_semaphore, #tpu.memory_space<semaphore_mem>>)
      %dma_wait3A_173 = arith.constant 0 : i32
      %dma_wait3A_174 = tpu.memref_slice %arg17[%add3A_71, %dma_wait3A_173] : memref<10240x128xf32, #tpu.memory_space<vmem_shared>> -> memref<80x128xf32, #tpu.memory_space<vmem_shared>>
      %dma_wait3A_175 = arith.constant 0 : i32
      %dma_wait3A_176 = tpu.memref_slice %arg17[%add3A_71, %dma_wait3A_175] : memref<10240x128xf32, #tpu.memory_space<vmem_shared>> -> memref<80x128xf32, #tpu.memory_space<vmem_shared>>
      tpu.wait_dma2 semaphore(%run_scoped3A : memref<!tpu.dma_semaphore, #tpu.memory_space<semaphore_mem>>) src(%arg7 : memref<80x128xf32, #tpu.memory_space<vmem>>) dst(%dma_wait3A_176 : memref<80x128xf32, #tpu.memory_space<vmem_shared>>)
      tpu.yield
    }) : () -> ()
    "tpu.region"() ({
      %run_scoped3A = tpu.sem_alloc : memref<!tpu.dma_semaphore, #tpu.memory_space<semaphore_mem>>
      %dma_start3A_169 = tpu.memref_slice %arg18[%add3A_71] : memref<10240xf32, #tpu.memory_space<vmem_shared>> -> memref<80xf32, #tpu.memory_space<vmem_shared>>
      %dma_start3A_170 = tpu.memref_slice %arg18[%add3A_71] : memref<10240xf32, #tpu.memory_space<vmem_shared>> -> memref<80xf32, #tpu.memory_space<vmem_shared>>
      tpu.enqueue_dma source(%arg10 : memref<80xf32, #tpu.memory_space<vmem>>) target(%dma_start3A_170 : memref<80xf32, #tpu.memory_space<vmem_shared>>) target_semaphore(%run_scoped3A : memref<!tpu.dma_semaphore, #tpu.memory_space<semaphore_mem>>)
      %dma_wait3A_171 = tpu.memref_slice %arg18[%add3A_71] : memref<10240xf32, #tpu.memory_space<vmem_shared>> -> memref<80xf32, #tpu.memory_space<vmem_shared>>
      %dma_wait3A_172 = tpu.memref_slice %arg18[%add3A_71] : memref<10240xf32, #tpu.memory_space<vmem_shared>> -> memref<80xf32, #tpu.memory_space<vmem_shared>>
      tpu.wait_dma2 semaphore(%run_scoped3A : memref<!tpu.dma_semaphore, #tpu.memory_space<semaphore_mem>>) src(%arg10 : memref<80xf32, #tpu.memory_space<vmem>>) dst(%dma_wait3A_172 : memref<80xf32, #tpu.memory_space<vmem_shared>>)
      tpu.yield
    }) : () -> ()
    %mul3A_72 = arith.constant 640 : i32
    %mul3A_73 = arith.muli %arg1, %mul3A_72 : i32
    %add3A_74 = arith.constant 240 : i32
    %add3A_75 = arith.addi %mul3A_73, %add3A_74 : i32
    "tpu.region"() ({
      %run_scoped3A = tpu.sem_alloc : memref<!tpu.dma_semaphore, #tpu.memory_space<semaphore_mem>>
      %dma_start3A_169 = arith.constant 0 : i32
      %dma_start3A_170 = tpu.memref_slice %arg17[%add3A_75, %dma_start3A_169] : memref<10240x128xf32, #tpu.memory_space<vmem_shared>> -> memref<80x128xf32, #tpu.memory_space<vmem_shared>>
      %dma_start3A_171 = arith.constant 0 : i32
      %dma_start3A_172 = tpu.memref_slice %arg17[%add3A_75, %dma_start3A_171] : memref<10240x128xf32, #tpu.memory_space<vmem_shared>> -> memref<80x128xf32, #tpu.memory_space<vmem_shared>>
      tpu.enqueue_dma source(%arg7 : memref<80x128xf32, #tpu.memory_space<vmem>>) target(%dma_start3A_172 : memref<80x128xf32, #tpu.memory_space<vmem_shared>>) target_semaphore(%run_scoped3A : memref<!tpu.dma_semaphore, #tpu.memory_space<semaphore_mem>>)
      %dma_wait3A_173 = arith.constant 0 : i32
      %dma_wait3A_174 = tpu.memref_slice %arg17[%add3A_75, %dma_wait3A_173] : memref<10240x128xf32, #tpu.memory_space<vmem_shared>> -> memref<80x128xf32, #tpu.memory_space<vmem_shared>>
      %dma_wait3A_175 = arith.constant 0 : i32
      %dma_wait3A_176 = tpu.memref_slice %arg17[%add3A_75, %dma_wait3A_175] : memref<10240x128xf32, #tpu.memory_space<vmem_shared>> -> memref<80x128xf32, #tpu.memory_space<vmem_shared>>
      tpu.wait_dma2 semaphore(%run_scoped3A : memref<!tpu.dma_semaphore, #tpu.memory_space<semaphore_mem>>) src(%arg7 : memref<80x128xf32, #tpu.memory_space<vmem>>) dst(%dma_wait3A_176 : memref<80x128xf32, #tpu.memory_space<vmem_shared>>)
      tpu.yield
    }) : () -> ()
    "tpu.region"() ({
      %run_scoped3A = tpu.sem_alloc : memref<!tpu.dma_semaphore, #tpu.memory_space<semaphore_mem>>
      %dma_start3A_169 = tpu.memref_slice %arg18[%add3A_75] : memref<10240xf32, #tpu.memory_space<vmem_shared>> -> memref<80xf32, #tpu.memory_space<vmem_shared>>
      %dma_start3A_170 = tpu.memref_slice %arg18[%add3A_75] : memref<10240xf32, #tpu.memory_space<vmem_shared>> -> memref<80xf32, #tpu.memory_space<vmem_shared>>
      tpu.enqueue_dma source(%arg10 : memref<80xf32, #tpu.memory_space<vmem>>) target(%dma_start3A_170 : memref<80xf32, #tpu.memory_space<vmem_shared>>) target_semaphore(%run_scoped3A : memref<!tpu.dma_semaphore, #tpu.memory_space<semaphore_mem>>)
      %dma_wait3A_171 = tpu.memref_slice %arg18[%add3A_75] : memref<10240xf32, #tpu.memory_space<vmem_shared>> -> memref<80xf32, #tpu.memory_space<vmem_shared>>
      %dma_wait3A_172 = tpu.memref_slice %arg18[%add3A_75] : memref<10240xf32, #tpu.memory_space<vmem_shared>> -> memref<80xf32, #tpu.memory_space<vmem_shared>>
      tpu.wait_dma2 semaphore(%run_scoped3A : memref<!tpu.dma_semaphore, #tpu.memory_space<semaphore_mem>>) src(%arg10 : memref<80xf32, #tpu.memory_space<vmem>>) dst(%dma_wait3A_172 : memref<80xf32, #tpu.memory_space<vmem_shared>>)
      tpu.yield
    }) : () -> ()
    %mul3A_76 = arith.constant 640 : i32
    %mul3A_77 = arith.muli %arg1, %mul3A_76 : i32
    %add3A_78 = arith.constant 320 : i32
    %add3A_79 = arith.addi %mul3A_77, %add3A_78 : i32
    "tpu.region"() ({
      %run_scoped3A = tpu.sem_alloc : memref<!tpu.dma_semaphore, #tpu.memory_space<semaphore_mem>>
      %dma_start3A_169 = arith.constant 0 : i32
      %dma_start3A_170 = tpu.memref_slice %arg17[%add3A_79, %dma_start3A_169] : memref<10240x128xf32, #tpu.memory_space<vmem_shared>> -> memref<80x128xf32, #tpu.memory_space<vmem_shared>>
      %dma_start3A_171 = arith.constant 0 : i32
      %dma_start3A_172 = tpu.memref_slice %arg17[%add3A_79, %dma_start3A_171] : memref<10240x128xf32, #tpu.memory_space<vmem_shared>> -> memref<80x128xf32, #tpu.memory_space<vmem_shared>>
      tpu.enqueue_dma source(%arg7 : memref<80x128xf32, #tpu.memory_space<vmem>>) target(%dma_start3A_172 : memref<80x128xf32, #tpu.memory_space<vmem_shared>>) target_semaphore(%run_scoped3A : memref<!tpu.dma_semaphore, #tpu.memory_space<semaphore_mem>>)
      %dma_wait3A_173 = arith.constant 0 : i32
      %dma_wait3A_174 = tpu.memref_slice %arg17[%add3A_79, %dma_wait3A_173] : memref<10240x128xf32, #tpu.memory_space<vmem_shared>> -> memref<80x128xf32, #tpu.memory_space<vmem_shared>>
      %dma_wait3A_175 = arith.constant 0 : i32
      %dma_wait3A_176 = tpu.memref_slice %arg17[%add3A_79, %dma_wait3A_175] : memref<10240x128xf32, #tpu.memory_space<vmem_shared>> -> memref<80x128xf32, #tpu.memory_space<vmem_shared>>
      tpu.wait_dma2 semaphore(%run_scoped3A : memref<!tpu.dma_semaphore, #tpu.memory_space<semaphore_mem>>) src(%arg7 : memref<80x128xf32, #tpu.memory_space<vmem>>) dst(%dma_wait3A_176 : memref<80x128xf32, #tpu.memory_space<vmem_shared>>)
      tpu.yield
    }) : () -> ()
    "tpu.region"() ({
      %run_scoped3A = tpu.sem_alloc : memref<!tpu.dma_semaphore, #tpu.memory_space<semaphore_mem>>
      %dma_start3A_169 = tpu.memref_slice %arg18[%add3A_79] : memref<10240xf32, #tpu.memory_space<vmem_shared>> -> memref<80xf32, #tpu.memory_space<vmem_shared>>
      %dma_start3A_170 = tpu.memref_slice %arg18[%add3A_79] : memref<10240xf32, #tpu.memory_space<vmem_shared>> -> memref<80xf32, #tpu.memory_space<vmem_shared>>
      tpu.enqueue_dma source(%arg10 : memref<80xf32, #tpu.memory_space<vmem>>) target(%dma_start3A_170 : memref<80xf32, #tpu.memory_space<vmem_shared>>) target_semaphore(%run_scoped3A : memref<!tpu.dma_semaphore, #tpu.memory_space<semaphore_mem>>)
      %dma_wait3A_171 = tpu.memref_slice %arg18[%add3A_79] : memref<10240xf32, #tpu.memory_space<vmem_shared>> -> memref<80xf32, #tpu.memory_space<vmem_shared>>
      %dma_wait3A_172 = tpu.memref_slice %arg18[%add3A_79] : memref<10240xf32, #tpu.memory_space<vmem_shared>> -> memref<80xf32, #tpu.memory_space<vmem_shared>>
      tpu.wait_dma2 semaphore(%run_scoped3A : memref<!tpu.dma_semaphore, #tpu.memory_space<semaphore_mem>>) src(%arg10 : memref<80xf32, #tpu.memory_space<vmem>>) dst(%dma_wait3A_172 : memref<80xf32, #tpu.memory_space<vmem_shared>>)
      tpu.yield
    }) : () -> ()
    %mul3A_80 = arith.constant 640 : i32
    %mul3A_81 = arith.muli %arg1, %mul3A_80 : i32
    %add3A_82 = arith.constant 400 : i32
    %add3A_83 = arith.addi %mul3A_81, %add3A_82 : i32
    "tpu.region"() ({
      %run_scoped3A = tpu.sem_alloc : memref<!tpu.dma_semaphore, #tpu.memory_space<semaphore_mem>>
      %dma_start3A_169 = arith.constant 0 : i32
      %dma_start3A_170 = tpu.memref_slice %arg17[%add3A_83, %dma_start3A_169] : memref<10240x128xf32, #tpu.memory_space<vmem_shared>> -> memref<80x128xf32, #tpu.memory_space<vmem_shared>>
      %dma_start3A_171 = arith.constant 0 : i32
      %dma_start3A_172 = tpu.memref_slice %arg17[%add3A_83, %dma_start3A_171] : memref<10240x128xf32, #tpu.memory_space<vmem_shared>> -> memref<80x128xf32, #tpu.memory_space<vmem_shared>>
      tpu.enqueue_dma source(%arg7 : memref<80x128xf32, #tpu.memory_space<vmem>>) target(%dma_start3A_172 : memref<80x128xf32, #tpu.memory_space<vmem_shared>>) target_semaphore(%run_scoped3A : memref<!tpu.dma_semaphore, #tpu.memory_space<semaphore_mem>>)
      %dma_wait3A_173 = arith.constant 0 : i32
      %dma_wait3A_174 = tpu.memref_slice %arg17[%add3A_83, %dma_wait3A_173] : memref<10240x128xf32, #tpu.memory_space<vmem_shared>> -> memref<80x128xf32, #tpu.memory_space<vmem_shared>>
      %dma_wait3A_175 = arith.constant 0 : i32
      %dma_wait3A_176 = tpu.memref_slice %arg17[%add3A_83, %dma_wait3A_175] : memref<10240x128xf32, #tpu.memory_space<vmem_shared>> -> memref<80x128xf32, #tpu.memory_space<vmem_shared>>
      tpu.wait_dma2 semaphore(%run_scoped3A : memref<!tpu.dma_semaphore, #tpu.memory_space<semaphore_mem>>) src(%arg7 : memref<80x128xf32, #tpu.memory_space<vmem>>) dst(%dma_wait3A_176 : memref<80x128xf32, #tpu.memory_space<vmem_shared>>)
      tpu.yield
    }) : () -> ()
    "tpu.region"() ({
      %run_scoped3A = tpu.sem_alloc : memref<!tpu.dma_semaphore, #tpu.memory_space<semaphore_mem>>
      %dma_start3A_169 = tpu.memref_slice %arg18[%add3A_83] : memref<10240xf32, #tpu.memory_space<vmem_shared>> -> memref<80xf32, #tpu.memory_space<vmem_shared>>
      %dma_start3A_170 = tpu.memref_slice %arg18[%add3A_83] : memref<10240xf32, #tpu.memory_space<vmem_shared>> -> memref<80xf32, #tpu.memory_space<vmem_shared>>
      tpu.enqueue_dma source(%arg10 : memref<80xf32, #tpu.memory_space<vmem>>) target(%dma_start3A_170 : memref<80xf32, #tpu.memory_space<vmem_shared>>) target_semaphore(%run_scoped3A : memref<!tpu.dma_semaphore, #tpu.memory_space<semaphore_mem>>)
      %dma_wait3A_171 = tpu.memref_slice %arg18[%add3A_83] : memref<10240xf32, #tpu.memory_space<vmem_shared>> -> memref<80xf32, #tpu.memory_space<vmem_shared>>
      %dma_wait3A_172 = tpu.memref_slice %arg18[%add3A_83] : memref<10240xf32, #tpu.memory_space<vmem_shared>> -> memref<80xf32, #tpu.memory_space<vmem_shared>>
      tpu.wait_dma2 semaphore(%run_scoped3A : memref<!tpu.dma_semaphore, #tpu.memory_space<semaphore_mem>>) src(%arg10 : memref<80xf32, #tpu.memory_space<vmem>>) dst(%dma_wait3A_172 : memref<80xf32, #tpu.memory_space<vmem_shared>>)
      tpu.yield
    }) : () -> ()
    %mul3A_84 = arith.constant 640 : i32
    %mul3A_85 = arith.muli %arg1, %mul3A_84 : i32
    %add3A_86 = arith.constant 480 : i32
    %add3A_87 = arith.addi %mul3A_85, %add3A_86 : i32
    "tpu.region"() ({
      %run_scoped3A = tpu.sem_alloc : memref<!tpu.dma_semaphore, #tpu.memory_space<semaphore_mem>>
      %dma_start3A_169 = arith.constant 0 : i32
      %dma_start3A_170 = tpu.memref_slice %arg17[%add3A_87, %dma_start3A_169] : memref<10240x128xf32, #tpu.memory_space<vmem_shared>> -> memref<80x128xf32, #tpu.memory_space<vmem_shared>>
      %dma_start3A_171 = arith.constant 0 : i32
      %dma_start3A_172 = tpu.memref_slice %arg17[%add3A_87, %dma_start3A_171] : memref<10240x128xf32, #tpu.memory_space<vmem_shared>> -> memref<80x128xf32, #tpu.memory_space<vmem_shared>>
      tpu.enqueue_dma source(%arg7 : memref<80x128xf32, #tpu.memory_space<vmem>>) target(%dma_start3A_172 : memref<80x128xf32, #tpu.memory_space<vmem_shared>>) target_semaphore(%run_scoped3A : memref<!tpu.dma_semaphore, #tpu.memory_space<semaphore_mem>>)
      %dma_wait3A_173 = arith.constant 0 : i32
      %dma_wait3A_174 = tpu.memref_slice %arg17[%add3A_87, %dma_wait3A_173] : memref<10240x128xf32, #tpu.memory_space<vmem_shared>> -> memref<80x128xf32, #tpu.memory_space<vmem_shared>>
      %dma_wait3A_175 = arith.constant 0 : i32
      %dma_wait3A_176 = tpu.memref_slice %arg17[%add3A_87, %dma_wait3A_175] : memref<10240x128xf32, #tpu.memory_space<vmem_shared>> -> memref<80x128xf32, #tpu.memory_space<vmem_shared>>
      tpu.wait_dma2 semaphore(%run_scoped3A : memref<!tpu.dma_semaphore, #tpu.memory_space<semaphore_mem>>) src(%arg7 : memref<80x128xf32, #tpu.memory_space<vmem>>) dst(%dma_wait3A_176 : memref<80x128xf32, #tpu.memory_space<vmem_shared>>)
      tpu.yield
    }) : () -> ()
    "tpu.region"() ({
      %run_scoped3A = tpu.sem_alloc : memref<!tpu.dma_semaphore, #tpu.memory_space<semaphore_mem>>
      %dma_start3A_169 = tpu.memref_slice %arg18[%add3A_87] : memref<10240xf32, #tpu.memory_space<vmem_shared>> -> memref<80xf32, #tpu.memory_space<vmem_shared>>
      %dma_start3A_170 = tpu.memref_slice %arg18[%add3A_87] : memref<10240xf32, #tpu.memory_space<vmem_shared>> -> memref<80xf32, #tpu.memory_space<vmem_shared>>
      tpu.enqueue_dma source(%arg10 : memref<80xf32, #tpu.memory_space<vmem>>) target(%dma_start3A_170 : memref<80xf32, #tpu.memory_space<vmem_shared>>) target_semaphore(%run_scoped3A : memref<!tpu.dma_semaphore, #tpu.memory_space<semaphore_mem>>)
      %dma_wait3A_171 = tpu.memref_slice %arg18[%add3A_87] : memref<10240xf32, #tpu.memory_space<vmem_shared>> -> memref<80xf32, #tpu.memory_space<vmem_shared>>
      %dma_wait3A_172 = tpu.memref_slice %arg18[%add3A_87] : memref<10240xf32, #tpu.memory_space<vmem_shared>> -> memref<80xf32, #tpu.memory_space<vmem_shared>>
      tpu.wait_dma2 semaphore(%run_scoped3A : memref<!tpu.dma_semaphore, #tpu.memory_space<semaphore_mem>>) src(%arg10 : memref<80xf32, #tpu.memory_space<vmem>>) dst(%dma_wait3A_172 : memref<80xf32, #tpu.memory_space<vmem_shared>>)
      tpu.yield
    }) : () -> ()
    %mul3A_88 = arith.constant 640 : i32
    %mul3A_89 = arith.muli %arg1, %mul3A_88 : i32
    %add3A_90 = arith.constant 560 : i32
    %add3A_91 = arith.addi %mul3A_89, %add3A_90 : i32
    "tpu.region"() ({
      %run_scoped3A = tpu.sem_alloc : memref<!tpu.dma_semaphore, #tpu.memory_space<semaphore_mem>>
      %dma_start3A_169 = arith.constant 0 : i32
      %dma_start3A_170 = tpu.memref_slice %arg17[%add3A_91, %dma_start3A_169] : memref<10240x128xf32, #tpu.memory_space<vmem_shared>> -> memref<80x128xf32, #tpu.memory_space<vmem_shared>>
      %dma_start3A_171 = arith.constant 0 : i32
      %dma_start3A_172 = tpu.memref_slice %arg17[%add3A_91, %dma_start3A_171] : memref<10240x128xf32, #tpu.memory_space<vmem_shared>> -> memref<80x128xf32, #tpu.memory_space<vmem_shared>>
      tpu.enqueue_dma source(%arg7 : memref<80x128xf32, #tpu.memory_space<vmem>>) target(%dma_start3A_172 : memref<80x128xf32, #tpu.memory_space<vmem_shared>>) target_semaphore(%run_scoped3A : memref<!tpu.dma_semaphore, #tpu.memory_space<semaphore_mem>>)
      %dma_wait3A_173 = arith.constant 0 : i32
      %dma_wait3A_174 = tpu.memref_slice %arg17[%add3A_91, %dma_wait3A_173] : memref<10240x128xf32, #tpu.memory_space<vmem_shared>> -> memref<80x128xf32, #tpu.memory_space<vmem_shared>>
      %dma_wait3A_175 = arith.constant 0 : i32
      %dma_wait3A_176 = tpu.memref_slice %arg17[%add3A_91, %dma_wait3A_175] : memref<10240x128xf32, #tpu.memory_space<vmem_shared>> -> memref<80x128xf32, #tpu.memory_space<vmem_shared>>
      tpu.wait_dma2 semaphore(%run_scoped3A : memref<!tpu.dma_semaphore, #tpu.memory_space<semaphore_mem>>) src(%arg7 : memref<80x128xf32, #tpu.memory_space<vmem>>) dst(%dma_wait3A_176 : memref<80x128xf32, #tpu.memory_space<vmem_shared>>)
      tpu.yield
    }) : () -> ()
    "tpu.region"() ({
      %run_scoped3A = tpu.sem_alloc : memref<!tpu.dma_semaphore, #tpu.memory_space<semaphore_mem>>
      %dma_start3A_169 = tpu.memref_slice %arg18[%add3A_91] : memref<10240xf32, #tpu.memory_space<vmem_shared>> -> memref<80xf32, #tpu.memory_space<vmem_shared>>
      %dma_start3A_170 = tpu.memref_slice %arg18[%add3A_91] : memref<10240xf32, #tpu.memory_space<vmem_shared>> -> memref<80xf32, #tpu.memory_space<vmem_shared>>
      tpu.enqueue_dma source(%arg10 : memref<80xf32, #tpu.memory_space<vmem>>) target(%dma_start3A_170 : memref<80xf32, #tpu.memory_space<vmem_shared>>) target_semaphore(%run_scoped3A : memref<!tpu.dma_semaphore, #tpu.memory_space<semaphore_mem>>)
      %dma_wait3A_171 = tpu.memref_slice %arg18[%add3A_91] : memref<10240xf32, #tpu.memory_space<vmem_shared>> -> memref<80xf32, #tpu.memory_space<vmem_shared>>
      %dma_wait3A_172 = tpu.memref_slice %arg18[%add3A_91] : memref<10240xf32, #tpu.memory_space<vmem_shared>> -> memref<80xf32, #tpu.memory_space<vmem_shared>>
      tpu.wait_dma2 semaphore(%run_scoped3A : memref<!tpu.dma_semaphore, #tpu.memory_space<semaphore_mem>>) src(%arg10 : memref<80xf32, #tpu.memory_space<vmem>>) dst(%dma_wait3A_172 : memref<80xf32, #tpu.memory_space<vmem_shared>>)
      tpu.yield
    }) : () -> ()
    %barrier3A = arith.constant 0 : index
    tpu.barrier barrier_id(%barrier3A)
    "tpu.region"() ({
      %run_scoped3A = tpu.sem_alloc : memref<!tpu.dma_semaphore, #tpu.memory_space<semaphore_mem>>
      %dma_start3A_169 = arith.constant 0 : i32
      %dma_start3A_170 = arith.constant 0 : i32
      %dma_start3A_171 = tpu.memref_slice %arg3[%add3A, %dma_start3A_169, %dma_start3A_170] : memref<32x125x80xi32, #tpu.memory_space<hbm>> -> memref<1x125x80xi32, #tpu.memory_space<hbm>>
      %dma_start3A_172 = tpu.memref_squeeze %dma_start3A_171 : memref<1x125x80xi32, #tpu.memory_space<hbm>> -> memref<125x80xi32, #tpu.memory_space<hbm>>
      %dma_start3A_173 = arith.constant 0 : i32
      %dma_start3A_174 = arith.constant 0 : i32
      %dma_start3A_175 = tpu.memref_slice %arg3[%add3A, %dma_start3A_173, %dma_start3A_174] : memref<32x125x80xi32, #tpu.memory_space<hbm>> -> memref<1x125x80xi32, #tpu.memory_space<hbm>>
      %dma_start3A_176 = tpu.memref_squeeze %dma_start3A_175 : memref<1x125x80xi32, #tpu.memory_space<hbm>> -> memref<125x80xi32, #tpu.memory_space<hbm>>
      tpu.enqueue_dma source(%dma_start3A_176 : memref<125x80xi32, #tpu.memory_space<hbm>>) target(%arg6 : memref<125x80xi32, #tpu.memory_space<vmem>>) target_semaphore(%run_scoped3A : memref<!tpu.dma_semaphore, #tpu.memory_space<semaphore_mem>>)
      %dma_wait3A_177 = arith.constant 0 : i32
      %dma_wait3A_178 = arith.constant 0 : i32
      %dma_wait3A_179 = tpu.memref_slice %arg3[%add3A, %dma_wait3A_177, %dma_wait3A_178] : memref<32x125x80xi32, #tpu.memory_space<hbm>> -> memref<1x125x80xi32, #tpu.memory_space<hbm>>
      %dma_wait3A_180 = tpu.memref_squeeze %dma_wait3A_179 : memref<1x125x80xi32, #tpu.memory_space<hbm>> -> memref<125x80xi32, #tpu.memory_space<hbm>>
      %dma_wait3A_181 = arith.constant 0 : i32
      %dma_wait3A_182 = arith.constant 0 : i32
      %dma_wait3A_183 = tpu.memref_slice %arg3[%add3A, %dma_wait3A_181, %dma_wait3A_182] : memref<32x125x80xi32, #tpu.memory_space<hbm>> -> memref<1x125x80xi32, #tpu.memory_space<hbm>>
      %dma_wait3A_184 = tpu.memref_squeeze %dma_wait3A_183 : memref<1x125x80xi32, #tpu.memory_space<hbm>> -> memref<125x80xi32, #tpu.memory_space<hbm>>
      tpu.wait_dma2 semaphore(%run_scoped3A : memref<!tpu.dma_semaphore, #tpu.memory_space<semaphore_mem>>) src(%dma_wait3A_184 : memref<125x80xi32, #tpu.memory_space<hbm>>) dst(%arg6 : memref<125x80xi32, #tpu.memory_space<vmem>>)
      tpu.yield
    }) : () -> ()
    %mul3A_92 = arith.constant 10000 : i32
    %mul3A_93 = arith.muli %add3A, %mul3A_92 : i32
    %add3A_94 = arith.constant 0 : i32
    %add3A_95 = arith.addi %mul3A_93, %add3A_94 : i32
    %dma_start3A = arith.constant 0 : i32
    %dma_start3A_96 = tpu.memref_slice %arg2[%add3A_95, %dma_start3A] : memref<320000x128xf32, #tpu.memory_space<hbm>> -> memref<80x128xf32, #tpu.memory_space<hbm>>
    %dma_start3A_97 = arith.constant 0 : i32
    %dma_start3A_98 = tpu.memref_slice %arg2[%add3A_95, %dma_start3A_97] : memref<320000x128xf32, #tpu.memory_space<hbm>> -> memref<80x128xf32, #tpu.memory_space<hbm>>
    tpu.enqueue_dma source(%dma_start3A_98 : memref<80x128xf32, #tpu.memory_space<hbm>>) target(%arg7 : memref<80x128xf32, #tpu.memory_space<vmem>>) target_semaphore(%arg11 : memref<!tpu.dma_semaphore, #tpu.memory_space<semaphore_mem>>)
    %scan3A_99 = arith.constant 0 : i32
    %scan3A_100 = arith.constant 62 : i32
    %scan3A_101 = arith.addi %scan3A_99, %scan3A_100 : i32
    %scan3A_102 = arith.constant 1 : i32
    scf.for %scan3A_169 = %scan3A_99 to %scan3A_101 step %scan3A_102  : i32 {
      %mul3A_170 = arith.constant 2 : i32
      %mul3A_171 = arith.muli %scan3A_169, %mul3A_170 : i32
      %add3A_172 = arith.constant 0 : i32
      %add3A_173 = arith.addi %add3A_172, %mul3A_171 : i32
      %mul3A_174 = arith.constant 80 : i32
      %mul3A_175 = arith.muli %add3A_173, %mul3A_174 : i32
      %add3A_176 = arith.addi %mul3A_93, %mul3A_175 : i32
      %dma_wait3A_177 = arith.constant 0 : i32
      %dma_wait3A_178 = tpu.memref_slice %arg2[%add3A_176, %dma_wait3A_177] : memref<320000x128xf32, #tpu.memory_space<hbm>> -> memref<80x128xf32, #tpu.memory_space<hbm>>
      %dma_wait3A_179 = arith.constant 0 : i32
      %dma_wait3A_180 = tpu.memref_slice %arg2[%add3A_176, %dma_wait3A_179] : memref<320000x128xf32, #tpu.memory_space<hbm>> -> memref<80x128xf32, #tpu.memory_space<hbm>>
      tpu.wait_dma2 semaphore(%arg11 : memref<!tpu.dma_semaphore, #tpu.memory_space<semaphore_mem>>) src(%dma_wait3A_180 : memref<80x128xf32, #tpu.memory_space<hbm>>) dst(%arg7 : memref<80x128xf32, #tpu.memory_space<vmem>>)
      %gt3A = arith.constant 0 : i32
      %gt3A_181 = arith.cmpi sgt, %add3A_173, %gt3A : i32
      %convert_element_type3A = arith.extui %gt3A_181 : i1 to i32
      %cond3A = arith.constant 0 : i32
      %cond3A_182 = arith.cmpi ne, %convert_element_type3A, %cond3A : i32
      scf.if %cond3A_182 {
        %sub3A = arith.constant 1 : i32
        %sub3A_245 = arith.subi %add3A_173, %sub3A : i32
        %dma_wait3A_246 = arith.constant 0 : i32
        %dma_wait3A_247 = tpu.memref_slice %arg6[%sub3A_245, %dma_wait3A_246] : memref<125x80xi32, #tpu.memory_space<vmem>> -> memref<1x80xi32, #tpu.memory_space<vmem>>
        %dma_wait3A_248 = tpu.memref_squeeze %dma_wait3A_247 : memref<1x80xi32, #tpu.memory_space<vmem>> -> memref<80xi32, #tpu.memory_space<vmem>>
        %dma_wait3A_249 = arith.constant 0 : i32
        %dma_wait3A_250 = arith.constant 0 : i32
        %dma_wait3A_251 = tpu.memref_slice %arg17[%dma_wait3A_249, %dma_wait3A_250] : memref<10240x128xf32, #tpu.memory_space<vmem_shared>> -> memref<10240x128xf32, #tpu.memory_space<vmem_shared>>
        tpu.wait_indirect_dma semaphore(%arg14 : memref<!tpu.dma_semaphore, #tpu.memory_space<semaphore_mem>>) src(%arg8 : memref<80x128xf32, #tpu.memory_space<vmem>>) dst(%dma_wait3A_251 : memref<10240x128xf32, #tpu.memory_space<vmem_shared>>)
        %dma_wait3A_252 = arith.constant 0 : i32
        %dma_wait3A_253 = tpu.memref_slice %arg6[%sub3A_245, %dma_wait3A_252] : memref<125x80xi32, #tpu.memory_space<vmem>> -> memref<1x80xi32, #tpu.memory_space<vmem>>
        %dma_wait3A_254 = tpu.memref_squeeze %dma_wait3A_253 : memref<1x80xi32, #tpu.memory_space<vmem>> -> memref<80xi32, #tpu.memory_space<vmem>>
        %dma_wait3A_255 = arith.constant 0 : i32
        %dma_wait3A_256 = tpu.memref_slice %arg18[%dma_wait3A_255] : memref<10240xf32, #tpu.memory_space<vmem_shared>> -> memref<10240xf32, #tpu.memory_space<vmem_shared>>
        tpu.wait_indirect_dma semaphore(%arg16 : memref<!tpu.dma_semaphore, #tpu.memory_space<semaphore_mem>>) src(%arg9 : memref<80xf32, #tpu.memory_space<vmem>>) dst(%dma_wait3A_256 : memref<10240xf32, #tpu.memory_space<vmem_shared>>)
      } else {
      }
      %add3A_183 = arith.constant 1 : i32
      %add3A_184 = arith.addi %add3A_173, %add3A_183 : i32
      %mul3A_185 = arith.constant 80 : i32
      %mul3A_186 = arith.muli %add3A_184, %mul3A_185 : i32
      %add3A_187 = arith.addi %mul3A_93, %mul3A_186 : i32
      %dma_start3A_188 = arith.constant 0 : i32
      %dma_start3A_189 = tpu.memref_slice %arg2[%add3A_187, %dma_start3A_188] : memref<320000x128xf32, #tpu.memory_space<hbm>> -> memref<80x128xf32, #tpu.memory_space<hbm>>
      %dma_start3A_190 = arith.constant 0 : i32
      %dma_start3A_191 = tpu.memref_slice %arg2[%add3A_187, %dma_start3A_190] : memref<320000x128xf32, #tpu.memory_space<hbm>> -> memref<80x128xf32, #tpu.memory_space<hbm>>
      tpu.enqueue_dma source(%dma_start3A_191 : memref<80x128xf32, #tpu.memory_space<hbm>>) target(%arg8 : memref<80x128xf32, #tpu.memory_space<vmem>>) target_semaphore(%arg12 : memref<!tpu.dma_semaphore, #tpu.memory_space<semaphore_mem>>)
      %dma_start3A_192 = arith.constant 0 : i32
      %dma_start3A_193 = tpu.memref_slice %arg6[%add3A_173, %dma_start3A_192] : memref<125x80xi32, #tpu.memory_space<vmem>> -> memref<1x80xi32, #tpu.memory_space<vmem>>
      %dma_start3A_194 = tpu.memref_squeeze %dma_start3A_193 : memref<1x80xi32, #tpu.memory_space<vmem>> -> memref<80xi32, #tpu.memory_space<vmem>>
      %dma_start3A_195 = arith.constant 0 : i32
      %dma_start3A_196 = arith.constant 0 : i32
      %dma_start3A_197 = tpu.memref_slice %arg17[%dma_start3A_195, %dma_start3A_196] : memref<10240x128xf32, #tpu.memory_space<vmem_shared>> -> memref<10240x128xf32, #tpu.memory_space<vmem_shared>>
      tpu.enqueue_indirect_dma source(%arg7 : memref<80x128xf32, #tpu.memory_space<vmem>>) target(%dma_start3A_197 : memref<10240x128xf32, #tpu.memory_space<vmem_shared>>) offsets(%dma_start3A_194 : memref<80xi32, #tpu.memory_space<vmem>>) semaphore(%arg13 : memref<!tpu.dma_semaphore, #tpu.memory_space<semaphore_mem>>) {add = true}
      %dma_start3A_198 = arith.constant 0 : i32
      %dma_start3A_199 = tpu.memref_slice %arg6[%add3A_173, %dma_start3A_198] : memref<125x80xi32, #tpu.memory_space<vmem>> -> memref<1x80xi32, #tpu.memory_space<vmem>>
      %dma_start3A_200 = tpu.memref_squeeze %dma_start3A_199 : memref<1x80xi32, #tpu.memory_space<vmem>> -> memref<80xi32, #tpu.memory_space<vmem>>
      %dma_start3A_201 = arith.constant 0 : i32
      %dma_start3A_202 = tpu.memref_slice %arg18[%dma_start3A_201] : memref<10240xf32, #tpu.memory_space<vmem_shared>> -> memref<10240xf32, #tpu.memory_space<vmem_shared>>
      tpu.enqueue_indirect_dma source(%arg9 : memref<80xf32, #tpu.memory_space<vmem>>) target(%dma_start3A_202 : memref<10240xf32, #tpu.memory_space<vmem_shared>>) offsets(%dma_start3A_200 : memref<80xi32, #tpu.memory_space<vmem>>) semaphore(%arg15 : memref<!tpu.dma_semaphore, #tpu.memory_space<semaphore_mem>>) {add = true}
      %add3A_203 = arith.constant 1 : i32
      %add3A_204 = arith.addi %add3A_173, %add3A_203 : i32
      %mul3A_205 = arith.constant 80 : i32
      %mul3A_206 = arith.muli %add3A_204, %mul3A_205 : i32
      %add3A_207 = arith.addi %mul3A_93, %mul3A_206 : i32
      %dma_wait3A_208 = arith.constant 0 : i32
      %dma_wait3A_209 = tpu.memref_slice %arg2[%add3A_207, %dma_wait3A_208] : memref<320000x128xf32, #tpu.memory_space<hbm>> -> memref<80x128xf32, #tpu.memory_space<hbm>>
      %dma_wait3A_210 = arith.constant 0 : i32
      %dma_wait3A_211 = tpu.memref_slice %arg2[%add3A_207, %dma_wait3A_210] : memref<320000x128xf32, #tpu.memory_space<hbm>> -> memref<80x128xf32, #tpu.memory_space<hbm>>
      tpu.wait_dma2 semaphore(%arg12 : memref<!tpu.dma_semaphore, #tpu.memory_space<semaphore_mem>>) src(%dma_wait3A_211 : memref<80x128xf32, #tpu.memory_space<hbm>>) dst(%arg8 : memref<80x128xf32, #tpu.memory_space<vmem>>)
      %dma_wait3A_212 = arith.constant 0 : i32
      %dma_wait3A_213 = tpu.memref_slice %arg6[%add3A_173, %dma_wait3A_212] : memref<125x80xi32, #tpu.memory_space<vmem>> -> memref<1x80xi32, #tpu.memory_space<vmem>>
      %dma_wait3A_214 = tpu.memref_squeeze %dma_wait3A_213 : memref<1x80xi32, #tpu.memory_space<vmem>> -> memref<80xi32, #tpu.memory_space<vmem>>
      %dma_wait3A_215 = arith.constant 0 : i32
      %dma_wait3A_216 = arith.constant 0 : i32
      %dma_wait3A_217 = tpu.memref_slice %arg17[%dma_wait3A_215, %dma_wait3A_216] : memref<10240x128xf32, #tpu.memory_space<vmem_shared>> -> memref<10240x128xf32, #tpu.memory_space<vmem_shared>>
      tpu.wait_indirect_dma semaphore(%arg13 : memref<!tpu.dma_semaphore, #tpu.memory_space<semaphore_mem>>) src(%arg7 : memref<80x128xf32, #tpu.memory_space<vmem>>) dst(%dma_wait3A_217 : memref<10240x128xf32, #tpu.memory_space<vmem_shared>>)
      %dma_wait3A_218 = arith.constant 0 : i32
      %dma_wait3A_219 = tpu.memref_slice %arg6[%add3A_173, %dma_wait3A_218] : memref<125x80xi32, #tpu.memory_space<vmem>> -> memref<1x80xi32, #tpu.memory_space<vmem>>
      %dma_wait3A_220 = tpu.memref_squeeze %dma_wait3A_219 : memref<1x80xi32, #tpu.memory_space<vmem>> -> memref<80xi32, #tpu.memory_space<vmem>>
      %dma_wait3A_221 = arith.constant 0 : i32
      %dma_wait3A_222 = tpu.memref_slice %arg18[%dma_wait3A_221] : memref<10240xf32, #tpu.memory_space<vmem_shared>> -> memref<10240xf32, #tpu.memory_space<vmem_shared>>
      tpu.wait_indirect_dma semaphore(%arg15 : memref<!tpu.dma_semaphore, #tpu.memory_space<semaphore_mem>>) src(%arg9 : memref<80xf32, #tpu.memory_space<vmem>>) dst(%dma_wait3A_222 : memref<10240xf32, #tpu.memory_space<vmem_shared>>)
      %add3A_223 = arith.constant 2 : i32
      %add3A_224 = arith.addi %add3A_173, %add3A_223 : i32
      %mul3A_225 = arith.constant 80 : i32
      %mul3A_226 = arith.muli %add3A_224, %mul3A_225 : i32
      %add3A_227 = arith.addi %mul3A_93, %mul3A_226 : i32
      %dma_start3A_228 = arith.constant 0 : i32
      %dma_start3A_229 = tpu.memref_slice %arg2[%add3A_227, %dma_start3A_228] : memref<320000x128xf32, #tpu.memory_space<hbm>> -> memref<80x128xf32, #tpu.memory_space<hbm>>
      %dma_start3A_230 = arith.constant 0 : i32
      %dma_start3A_231 = tpu.memref_slice %arg2[%add3A_227, %dma_start3A_230] : memref<320000x128xf32, #tpu.memory_space<hbm>> -> memref<80x128xf32, #tpu.memory_space<hbm>>
      tpu.enqueue_dma source(%dma_start3A_231 : memref<80x128xf32, #tpu.memory_space<hbm>>) target(%arg7 : memref<80x128xf32, #tpu.memory_space<vmem>>) target_semaphore(%arg11 : memref<!tpu.dma_semaphore, #tpu.memory_space<semaphore_mem>>)
      %add3A_232 = arith.constant 1 : i32
      %add3A_233 = arith.addi %add3A_173, %add3A_232 : i32
      %dma_start3A_234 = arith.constant 0 : i32
      %dma_start3A_235 = tpu.memref_slice %arg6[%add3A_233, %dma_start3A_234] : memref<125x80xi32, #tpu.memory_space<vmem>> -> memref<1x80xi32, #tpu.memory_space<vmem>>
      %dma_start3A_236 = tpu.memref_squeeze %dma_start3A_235 : memref<1x80xi32, #tpu.memory_space<vmem>> -> memref<80xi32, #tpu.memory_space<vmem>>
      %dma_start3A_237 = arith.constant 0 : i32
      %dma_start3A_238 = arith.constant 0 : i32
      %dma_start3A_239 = tpu.memref_slice %arg17[%dma_start3A_237, %dma_start3A_238] : memref<10240x128xf32, #tpu.memory_space<vmem_shared>> -> memref<10240x128xf32, #tpu.memory_space<vmem_shared>>
      tpu.enqueue_indirect_dma source(%arg8 : memref<80x128xf32, #tpu.memory_space<vmem>>) target(%dma_start3A_239 : memref<10240x128xf32, #tpu.memory_space<vmem_shared>>) offsets(%dma_start3A_236 : memref<80xi32, #tpu.memory_space<vmem>>) semaphore(%arg14 : memref<!tpu.dma_semaphore, #tpu.memory_space<semaphore_mem>>) {add = true}
      %dma_start3A_240 = arith.constant 0 : i32
      %dma_start3A_241 = tpu.memref_slice %arg6[%add3A_233, %dma_start3A_240] : memref<125x80xi32, #tpu.memory_space<vmem>> -> memref<1x80xi32, #tpu.memory_space<vmem>>
      %dma_start3A_242 = tpu.memref_squeeze %dma_start3A_241 : memref<1x80xi32, #tpu.memory_space<vmem>> -> memref<80xi32, #tpu.memory_space<vmem>>
      %dma_start3A_243 = arith.constant 0 : i32
      %dma_start3A_244 = tpu.memref_slice %arg18[%dma_start3A_243] : memref<10240xf32, #tpu.memory_space<vmem_shared>> -> memref<10240xf32, #tpu.memory_space<vmem_shared>>
      tpu.enqueue_indirect_dma source(%arg9 : memref<80xf32, #tpu.memory_space<vmem>>) target(%dma_start3A_244 : memref<10240xf32, #tpu.memory_space<vmem_shared>>) offsets(%dma_start3A_242 : memref<80xi32, #tpu.memory_space<vmem>>) semaphore(%arg16 : memref<!tpu.dma_semaphore, #tpu.memory_space<semaphore_mem>>) {add = true}
    }
    %scan3A_103 = arith.constant 62 : i32
    %add3A_104 = arith.constant 9920 : i32
    %add3A_105 = arith.addi %mul3A_93, %add3A_104 : i32
    %dma_wait3A = arith.constant 0 : i32
    %dma_wait3A_106 = tpu.memref_slice %arg2[%add3A_105, %dma_wait3A] : memref<320000x128xf32, #tpu.memory_space<hbm>> -> memref<80x128xf32, #tpu.memory_space<hbm>>
    %dma_wait3A_107 = arith.constant 0 : i32
    %dma_wait3A_108 = tpu.memref_slice %arg2[%add3A_105, %dma_wait3A_107] : memref<320000x128xf32, #tpu.memory_space<hbm>> -> memref<80x128xf32, #tpu.memory_space<hbm>>
    tpu.wait_dma2 semaphore(%arg11 : memref<!tpu.dma_semaphore, #tpu.memory_space<semaphore_mem>>) src(%dma_wait3A_108 : memref<80x128xf32, #tpu.memory_space<hbm>>) dst(%arg7 : memref<80x128xf32, #tpu.memory_space<vmem>>)
    %dma_wait3A_109 = arith.constant 123 : i32
    %dma_wait3A_110 = arith.constant 0 : i32
    %dma_wait3A_111 = tpu.memref_slice %arg6[%dma_wait3A_109, %dma_wait3A_110] : memref<125x80xi32, #tpu.memory_space<vmem>> -> memref<1x80xi32, #tpu.memory_space<vmem>>
    %dma_wait3A_112 = tpu.memref_squeeze %dma_wait3A_111 : memref<1x80xi32, #tpu.memory_space<vmem>> -> memref<80xi32, #tpu.memory_space<vmem>>
    %dma_wait3A_113 = arith.constant 0 : i32
    %dma_wait3A_114 = arith.constant 0 : i32
    %dma_wait3A_115 = tpu.memref_slice %arg17[%dma_wait3A_113, %dma_wait3A_114] : memref<10240x128xf32, #tpu.memory_space<vmem_shared>> -> memref<10240x128xf32, #tpu.memory_space<vmem_shared>>
    tpu.wait_indirect_dma semaphore(%arg14 : memref<!tpu.dma_semaphore, #tpu.memory_space<semaphore_mem>>) src(%arg8 : memref<80x128xf32, #tpu.memory_space<vmem>>) dst(%dma_wait3A_115 : memref<10240x128xf32, #tpu.memory_space<vmem_shared>>)
    %dma_wait3A_116 = arith.constant 123 : i32
    %dma_wait3A_117 = arith.constant 0 : i32
    %dma_wait3A_118 = tpu.memref_slice %arg6[%dma_wait3A_116, %dma_wait3A_117] : memref<125x80xi32, #tpu.memory_space<vmem>> -> memref<1x80xi32, #tpu.memory_space<vmem>>
    %dma_wait3A_119 = tpu.memref_squeeze %dma_wait3A_118 : memref<1x80xi32, #tpu.memory_space<vmem>> -> memref<80xi32, #tpu.memory_space<vmem>>
    %dma_wait3A_120 = arith.constant 0 : i32
    %dma_wait3A_121 = tpu.memref_slice %arg18[%dma_wait3A_120] : memref<10240xf32, #tpu.memory_space<vmem_shared>> -> memref<10240xf32, #tpu.memory_space<vmem_shared>>
    tpu.wait_indirect_dma semaphore(%arg16 : memref<!tpu.dma_semaphore, #tpu.memory_space<semaphore_mem>>) src(%arg9 : memref<80xf32, #tpu.memory_space<vmem>>) dst(%dma_wait3A_121 : memref<10240xf32, #tpu.memory_space<vmem_shared>>)
    %dma_start3A_122 = arith.constant 124 : i32
    %dma_start3A_123 = arith.constant 0 : i32
    %dma_start3A_124 = tpu.memref_slice %arg6[%dma_start3A_122, %dma_start3A_123] : memref<125x80xi32, #tpu.memory_space<vmem>> -> memref<1x80xi32, #tpu.memory_space<vmem>>
    %dma_start3A_125 = tpu.memref_squeeze %dma_start3A_124 : memref<1x80xi32, #tpu.memory_space<vmem>> -> memref<80xi32, #tpu.memory_space<vmem>>
    %dma_start3A_126 = arith.constant 0 : i32
    %dma_start3A_127 = arith.constant 0 : i32
    %dma_start3A_128 = tpu.memref_slice %arg17[%dma_start3A_126, %dma_start3A_127] : memref<10240x128xf32, #tpu.memory_space<vmem_shared>> -> memref<10240x128xf32, #tpu.memory_space<vmem_shared>>
    tpu.enqueue_indirect_dma source(%arg7 : memref<80x128xf32, #tpu.memory_space<vmem>>) target(%dma_start3A_128 : memref<10240x128xf32, #tpu.memory_space<vmem_shared>>) offsets(%dma_start3A_125 : memref<80xi32, #tpu.memory_space<vmem>>) semaphore(%arg13 : memref<!tpu.dma_semaphore, #tpu.memory_space<semaphore_mem>>) {add = true}
    %dma_start3A_129 = arith.constant 124 : i32
    %dma_start3A_130 = arith.constant 0 : i32
    %dma_start3A_131 = tpu.memref_slice %arg6[%dma_start3A_129, %dma_start3A_130] : memref<125x80xi32, #tpu.memory_space<vmem>> -> memref<1x80xi32, #tpu.memory_space<vmem>>
    %dma_start3A_132 = tpu.memref_squeeze %dma_start3A_131 : memref<1x80xi32, #tpu.memory_space<vmem>> -> memref<80xi32, #tpu.memory_space<vmem>>
    %dma_start3A_133 = arith.constant 0 : i32
    %dma_start3A_134 = tpu.memref_slice %arg18[%dma_start3A_133] : memref<10240xf32, #tpu.memory_space<vmem_shared>> -> memref<10240xf32, #tpu.memory_space<vmem_shared>>
    tpu.enqueue_indirect_dma source(%arg9 : memref<80xf32, #tpu.memory_space<vmem>>) target(%dma_start3A_134 : memref<10240xf32, #tpu.memory_space<vmem_shared>>) offsets(%dma_start3A_132 : memref<80xi32, #tpu.memory_space<vmem>>) semaphore(%arg15 : memref<!tpu.dma_semaphore, #tpu.memory_space<semaphore_mem>>) {add = true}
    %dma_wait3A_135 = arith.constant 124 : i32
    %dma_wait3A_136 = arith.constant 0 : i32
    %dma_wait3A_137 = tpu.memref_slice %arg6[%dma_wait3A_135, %dma_wait3A_136] : memref<125x80xi32, #tpu.memory_space<vmem>> -> memref<1x80xi32, #tpu.memory_space<vmem>>
    %dma_wait3A_138 = tpu.memref_squeeze %dma_wait3A_137 : memref<1x80xi32, #tpu.memory_space<vmem>> -> memref<80xi32, #tpu.memory_space<vmem>>
    %dma_wait3A_139 = arith.constant 0 : i32
    %dma_wait3A_140 = arith.constant 0 : i32
    %dma_wait3A_141 = tpu.memref_slice %arg17[%dma_wait3A_139, %dma_wait3A_140] : memref<10240x128xf32, #tpu.memory_space<vmem_shared>> -> memref<10240x128xf32, #tpu.memory_space<vmem_shared>>
    tpu.wait_indirect_dma semaphore(%arg13 : memref<!tpu.dma_semaphore, #tpu.memory_space<semaphore_mem>>) src(%arg7 : memref<80x128xf32, #tpu.memory_space<vmem>>) dst(%dma_wait3A_141 : memref<10240x128xf32, #tpu.memory_space<vmem_shared>>)
    %dma_wait3A_142 = arith.constant 124 : i32
    %dma_wait3A_143 = arith.constant 0 : i32
    %dma_wait3A_144 = tpu.memref_slice %arg6[%dma_wait3A_142, %dma_wait3A_143] : memref<125x80xi32, #tpu.memory_space<vmem>> -> memref<1x80xi32, #tpu.memory_space<vmem>>
    %dma_wait3A_145 = tpu.memref_squeeze %dma_wait3A_144 : memref<1x80xi32, #tpu.memory_space<vmem>> -> memref<80xi32, #tpu.memory_space<vmem>>
    %dma_wait3A_146 = arith.constant 0 : i32
    %dma_wait3A_147 = tpu.memref_slice %arg18[%dma_wait3A_146] : memref<10240xf32, #tpu.memory_space<vmem_shared>> -> memref<10240xf32, #tpu.memory_space<vmem_shared>>
    tpu.wait_indirect_dma semaphore(%arg15 : memref<!tpu.dma_semaphore, #tpu.memory_space<semaphore_mem>>) src(%arg9 : memref<80xf32, #tpu.memory_space<vmem>>) dst(%dma_wait3A_147 : memref<10240xf32, #tpu.memory_space<vmem_shared>>)
    %barrier3A_148 = arith.constant 0 : index
    tpu.barrier barrier_id(%barrier3A_148)
    %mul3A_149 = arith.constant 640 : i32
    %mul3A_150 = arith.muli %arg1, %mul3A_149 : i32
    %add3A_151 = arith.constant 0 : i32
    %add3A_152 = arith.addi %mul3A_150, %add3A_151 : i32
    "tpu.region"() ({
      %run_scoped3A = tpu.sem_alloc : memref<!tpu.dma_semaphore, #tpu.memory_space<semaphore_mem>>
      %dma_start3A_169 = arith.constant 0 : i32
      %dma_start3A_170 = arith.constant 0 : i32
      %dma_start3A_171 = tpu.memref_slice %arg4[%arg0, %dma_start3A_169, %dma_start3A_170] : memref<2x10240x128xf32, #tpu.memory_space<hbm>> -> memref<1x10240x128xf32, #tpu.memory_space<hbm>>
      %dma_start3A_172 = tpu.memref_squeeze %dma_start3A_171 : memref<1x10240x128xf32, #tpu.memory_space<hbm>> -> memref<10240x128xf32, #tpu.memory_space<hbm>>
      %dma_start3A_173 = arith.constant 0 : i32
      %dma_start3A_174 = tpu.memref_slice %dma_start3A_172[%add3A_152, %dma_start3A_173] : memref<10240x128xf32, #tpu.memory_space<hbm>> -> memref<128x128xf32, #tpu.memory_space<hbm>>
      %dma_start3A_175 = arith.constant 0 : i32
      %dma_start3A_176 = tpu.memref_slice %arg17[%add3A_152, %dma_start3A_175] : memref<10240x128xf32, #tpu.memory_space<vmem_shared>> -> memref<128x128xf32, #tpu.memory_space<vmem_shared>>
      tpu.enqueue_dma source(%dma_start3A_176 : memref<128x128xf32, #tpu.memory_space<vmem_shared>>) target(%dma_start3A_174 : memref<128x128xf32, #tpu.memory_space<hbm>>) target_semaphore(%run_scoped3A : memref<!tpu.dma_semaphore, #tpu.memory_space<semaphore_mem>>)
      %dma_wait3A_177 = arith.constant 0 : i32
      %dma_wait3A_178 = arith.constant 0 : i32
      %dma_wait3A_179 = tpu.memref_slice %arg4[%arg0, %dma_wait3A_177, %dma_wait3A_178] : memref<2x10240x128xf32, #tpu.memory_space<hbm>> -> memref<1x10240x128xf32, #tpu.memory_space<hbm>>
      %dma_wait3A_180 = tpu.memref_squeeze %dma_wait3A_179 : memref<1x10240x128xf32, #tpu.memory_space<hbm>> -> memref<10240x128xf32, #tpu.memory_space<hbm>>
      %dma_wait3A_181 = arith.constant 0 : i32
      %dma_wait3A_182 = tpu.memref_slice %dma_wait3A_180[%add3A_152, %dma_wait3A_181] : memref<10240x128xf32, #tpu.memory_space<hbm>> -> memref<128x128xf32, #tpu.memory_space<hbm>>
      %dma_wait3A_183 = arith.constant 0 : i32
      %dma_wait3A_184 = tpu.memref_slice %arg17[%add3A_152, %dma_wait3A_183] : memref<10240x128xf32, #tpu.memory_space<vmem_shared>> -> memref<128x128xf32, #tpu.memory_space<vmem_shared>>
      tpu.wait_dma2 semaphore(%run_scoped3A : memref<!tpu.dma_semaphore, #tpu.memory_space<semaphore_mem>>) src(%dma_wait3A_184 : memref<128x128xf32, #tpu.memory_space<vmem_shared>>) dst(%dma_wait3A_182 : memref<128x128xf32, #tpu.memory_space<hbm>>)
      tpu.yield
    }) : () -> ()
    "tpu.region"() ({
      %run_scoped3A = tpu.sem_alloc : memref<!tpu.dma_semaphore, #tpu.memory_space<semaphore_mem>>
      %dma_start3A_169 = arith.constant 0 : i32
      %dma_start3A_170 = tpu.memref_slice %arg5[%arg0, %dma_start3A_169] : memref<2x10240xf32, #tpu.memory_space<hbm>> -> memref<1x10240xf32, #tpu.memory_space<hbm>>
      %dma_start3A_171 = tpu.memref_squeeze %dma_start3A_170 : memref<1x10240xf32, #tpu.memory_space<hbm>> -> memref<10240xf32, #tpu.memory_space<hbm>>
      %dma_start3A_172 = tpu.memref_slice %dma_start3A_171[%add3A_152] : memref<10240xf32, #tpu.memory_space<hbm>> -> memref<128xf32, #tpu.memory_space<hbm>>
      %dma_start3A_173 = tpu.memref_slice %arg18[%add3A_152] : memref<10240xf32, #tpu.memory_space<vmem_shared>> -> memref<128xf32, #tpu.memory_space<vmem_shared>>
      tpu.enqueue_dma source(%dma_start3A_173 : memref<128xf32, #tpu.memory_space<vmem_shared>>) target(%dma_start3A_172 : memref<128xf32, #tpu.memory_space<hbm>>) target_semaphore(%run_scoped3A : memref<!tpu.dma_semaphore, #tpu.memory_space<semaphore_mem>>)
      %dma_wait3A_174 = arith.constant 0 : i32
      %dma_wait3A_175 = tpu.memref_slice %arg5[%arg0, %dma_wait3A_174] : memref<2x10240xf32, #tpu.memory_space<hbm>> -> memref<1x10240xf32, #tpu.memory_space<hbm>>
      %dma_wait3A_176 = tpu.memref_squeeze %dma_wait3A_175 : memref<1x10240xf32, #tpu.memory_space<hbm>> -> memref<10240xf32, #tpu.memory_space<hbm>>
      %dma_wait3A_177 = tpu.memref_slice %dma_wait3A_176[%add3A_152] : memref<10240xf32, #tpu.memory_space<hbm>> -> memref<128xf32, #tpu.memory_space<hbm>>
      %dma_wait3A_178 = tpu.memref_slice %arg18[%add3A_152] : memref<10240xf32, #tpu.memory_space<vmem_shared>> -> memref<128xf32, #tpu.memory_space<vmem_shared>>
      tpu.wait_dma2 semaphore(%run_scoped3A : memref<!tpu.dma_semaphore, #tpu.memory_space<semaphore_mem>>) src(%dma_wait3A_178 : memref<128xf32, #tpu.memory_space<vmem_shared>>) dst(%dma_wait3A_177 : memref<128xf32, #tpu.memory_space<hbm>>)
      tpu.yield
    }) : () -> ()
    %mul3A_153 = arith.constant 640 : i32
    %mul3A_154 = arith.muli %arg1, %mul3A_153 : i32
    %add3A_155 = arith.constant 128 : i32
    %add3A_156 = arith.addi %mul3A_154, %add3A_155 : i32
    "tpu.region"() ({
      %run_scoped3A = tpu.sem_alloc : memref<!tpu.dma_semaphore, #tpu.memory_space<semaphore_mem>>
      %dma_start3A_169 = arith.constant 0 : i32
      %dma_start3A_170 = arith.constant 0 : i32
      %dma_start3A_171 = tpu.memref_slice %arg4[%arg0, %dma_start3A_169, %dma_start3A_170] : memref<2x10240x128xf32, #tpu.memory_space<hbm>> -> memref<1x10240x128xf32, #tpu.memory_space<hbm>>
      %dma_start3A_172 = tpu.memref_squeeze %dma_start3A_171 : memref<1x10240x128xf32, #tpu.memory_space<hbm>> -> memref<10240x128xf32, #tpu.memory_space<hbm>>
      %dma_start3A_173 = arith.constant 0 : i32
      %dma_start3A_174 = tpu.memref_slice %dma_start3A_172[%add3A_156, %dma_start3A_173] : memref<10240x128xf32, #tpu.memory_space<hbm>> -> memref<128x128xf32, #tpu.memory_space<hbm>>
      %dma_start3A_175 = arith.constant 0 : i32
      %dma_start3A_176 = tpu.memref_slice %arg17[%add3A_156, %dma_start3A_175] : memref<10240x128xf32, #tpu.memory_space<vmem_shared>> -> memref<128x128xf32, #tpu.memory_space<vmem_shared>>
      tpu.enqueue_dma source(%dma_start3A_176 : memref<128x128xf32, #tpu.memory_space<vmem_shared>>) target(%dma_start3A_174 : memref<128x128xf32, #tpu.memory_space<hbm>>) target_semaphore(%run_scoped3A : memref<!tpu.dma_semaphore, #tpu.memory_space<semaphore_mem>>)
      %dma_wait3A_177 = arith.constant 0 : i32
      %dma_wait3A_178 = arith.constant 0 : i32
      %dma_wait3A_179 = tpu.memref_slice %arg4[%arg0, %dma_wait3A_177, %dma_wait3A_178] : memref<2x10240x128xf32, #tpu.memory_space<hbm>> -> memref<1x10240x128xf32, #tpu.memory_space<hbm>>
      %dma_wait3A_180 = tpu.memref_squeeze %dma_wait3A_179 : memref<1x10240x128xf32, #tpu.memory_space<hbm>> -> memref<10240x128xf32, #tpu.memory_space<hbm>>
      %dma_wait3A_181 = arith.constant 0 : i32
      %dma_wait3A_182 = tpu.memref_slice %dma_wait3A_180[%add3A_156, %dma_wait3A_181] : memref<10240x128xf32, #tpu.memory_space<hbm>> -> memref<128x128xf32, #tpu.memory_space<hbm>>
      %dma_wait3A_183 = arith.constant 0 : i32
      %dma_wait3A_184 = tpu.memref_slice %arg17[%add3A_156, %dma_wait3A_183] : memref<10240x128xf32, #tpu.memory_space<vmem_shared>> -> memref<128x128xf32, #tpu.memory_space<vmem_shared>>
      tpu.wait_dma2 semaphore(%run_scoped3A : memref<!tpu.dma_semaphore, #tpu.memory_space<semaphore_mem>>) src(%dma_wait3A_184 : memref<128x128xf32, #tpu.memory_space<vmem_shared>>) dst(%dma_wait3A_182 : memref<128x128xf32, #tpu.memory_space<hbm>>)
      tpu.yield
    }) : () -> ()
    "tpu.region"() ({
      %run_scoped3A = tpu.sem_alloc : memref<!tpu.dma_semaphore, #tpu.memory_space<semaphore_mem>>
      %dma_start3A_169 = arith.constant 0 : i32
      %dma_start3A_170 = tpu.memref_slice %arg5[%arg0, %dma_start3A_169] : memref<2x10240xf32, #tpu.memory_space<hbm>> -> memref<1x10240xf32, #tpu.memory_space<hbm>>
      %dma_start3A_171 = tpu.memref_squeeze %dma_start3A_170 : memref<1x10240xf32, #tpu.memory_space<hbm>> -> memref<10240xf32, #tpu.memory_space<hbm>>
      %dma_start3A_172 = tpu.memref_slice %dma_start3A_171[%add3A_156] : memref<10240xf32, #tpu.memory_space<hbm>> -> memref<128xf32, #tpu.memory_space<hbm>>
      %dma_start3A_173 = tpu.memref_slice %arg18[%add3A_156] : memref<10240xf32, #tpu.memory_space<vmem_shared>> -> memref<128xf32, #tpu.memory_space<vmem_shared>>
      tpu.enqueue_dma source(%dma_start3A_173 : memref<128xf32, #tpu.memory_space<vmem_shared>>) target(%dma_start3A_172 : memref<128xf32, #tpu.memory_space<hbm>>) target_semaphore(%run_scoped3A : memref<!tpu.dma_semaphore, #tpu.memory_space<semaphore_mem>>)
      %dma_wait3A_174 = arith.constant 0 : i32
      %dma_wait3A_175 = tpu.memref_slice %arg5[%arg0, %dma_wait3A_174] : memref<2x10240xf32, #tpu.memory_space<hbm>> -> memref<1x10240xf32, #tpu.memory_space<hbm>>
      %dma_wait3A_176 = tpu.memref_squeeze %dma_wait3A_175 : memref<1x10240xf32, #tpu.memory_space<hbm>> -> memref<10240xf32, #tpu.memory_space<hbm>>
      %dma_wait3A_177 = tpu.memref_slice %dma_wait3A_176[%add3A_156] : memref<10240xf32, #tpu.memory_space<hbm>> -> memref<128xf32, #tpu.memory_space<hbm>>
      %dma_wait3A_178 = tpu.memref_slice %arg18[%add3A_156] : memref<10240xf32, #tpu.memory_space<vmem_shared>> -> memref<128xf32, #tpu.memory_space<vmem_shared>>
      tpu.wait_dma2 semaphore(%run_scoped3A : memref<!tpu.dma_semaphore, #tpu.memory_space<semaphore_mem>>) src(%dma_wait3A_178 : memref<128xf32, #tpu.memory_space<vmem_shared>>) dst(%dma_wait3A_177 : memref<128xf32, #tpu.memory_space<hbm>>)
      tpu.yield
    }) : () -> ()
    %mul3A_157 = arith.constant 640 : i32
    %mul3A_158 = arith.muli %arg1, %mul3A_157 : i32
    %add3A_159 = arith.constant 256 : i32
    %add3A_160 = arith.addi %mul3A_158, %add3A_159 : i32
    "tpu.region"() ({
      %run_scoped3A = tpu.sem_alloc : memref<!tpu.dma_semaphore, #tpu.memory_space<semaphore_mem>>
      %dma_start3A_169 = arith.constant 0 : i32
      %dma_start3A_170 = arith.constant 0 : i32
      %dma_start3A_171 = tpu.memref_slice %arg4[%arg0, %dma_start3A_169, %dma_start3A_170] : memref<2x10240x128xf32, #tpu.memory_space<hbm>> -> memref<1x10240x128xf32, #tpu.memory_space<hbm>>
      %dma_start3A_172 = tpu.memref_squeeze %dma_start3A_171 : memref<1x10240x128xf32, #tpu.memory_space<hbm>> -> memref<10240x128xf32, #tpu.memory_space<hbm>>
      %dma_start3A_173 = arith.constant 0 : i32
      %dma_start3A_174 = tpu.memref_slice %dma_start3A_172[%add3A_160, %dma_start3A_173] : memref<10240x128xf32, #tpu.memory_space<hbm>> -> memref<128x128xf32, #tpu.memory_space<hbm>>
      %dma_start3A_175 = arith.constant 0 : i32
      %dma_start3A_176 = tpu.memref_slice %arg17[%add3A_160, %dma_start3A_175] : memref<10240x128xf32, #tpu.memory_space<vmem_shared>> -> memref<128x128xf32, #tpu.memory_space<vmem_shared>>
      tpu.enqueue_dma source(%dma_start3A_176 : memref<128x128xf32, #tpu.memory_space<vmem_shared>>) target(%dma_start3A_174 : memref<128x128xf32, #tpu.memory_space<hbm>>) target_semaphore(%run_scoped3A : memref<!tpu.dma_semaphore, #tpu.memory_space<semaphore_mem>>)
      %dma_wait3A_177 = arith.constant 0 : i32
      %dma_wait3A_178 = arith.constant 0 : i32
      %dma_wait3A_179 = tpu.memref_slice %arg4[%arg0, %dma_wait3A_177, %dma_wait3A_178] : memref<2x10240x128xf32, #tpu.memory_space<hbm>> -> memref<1x10240x128xf32, #tpu.memory_space<hbm>>
      %dma_wait3A_180 = tpu.memref_squeeze %dma_wait3A_179 : memref<1x10240x128xf32, #tpu.memory_space<hbm>> -> memref<10240x128xf32, #tpu.memory_space<hbm>>
      %dma_wait3A_181 = arith.constant 0 : i32
      %dma_wait3A_182 = tpu.memref_slice %dma_wait3A_180[%add3A_160, %dma_wait3A_181] : memref<10240x128xf32, #tpu.memory_space<hbm>> -> memref<128x128xf32, #tpu.memory_space<hbm>>
      %dma_wait3A_183 = arith.constant 0 : i32
      %dma_wait3A_184 = tpu.memref_slice %arg17[%add3A_160, %dma_wait3A_183] : memref<10240x128xf32, #tpu.memory_space<vmem_shared>> -> memref<128x128xf32, #tpu.memory_space<vmem_shared>>
      tpu.wait_dma2 semaphore(%run_scoped3A : memref<!tpu.dma_semaphore, #tpu.memory_space<semaphore_mem>>) src(%dma_wait3A_184 : memref<128x128xf32, #tpu.memory_space<vmem_shared>>) dst(%dma_wait3A_182 : memref<128x128xf32, #tpu.memory_space<hbm>>)
      tpu.yield
    }) : () -> ()
    "tpu.region"() ({
      %run_scoped3A = tpu.sem_alloc : memref<!tpu.dma_semaphore, #tpu.memory_space<semaphore_mem>>
      %dma_start3A_169 = arith.constant 0 : i32
      %dma_start3A_170 = tpu.memref_slice %arg5[%arg0, %dma_start3A_169] : memref<2x10240xf32, #tpu.memory_space<hbm>> -> memref<1x10240xf32, #tpu.memory_space<hbm>>
      %dma_start3A_171 = tpu.memref_squeeze %dma_start3A_170 : memref<1x10240xf32, #tpu.memory_space<hbm>> -> memref<10240xf32, #tpu.memory_space<hbm>>
      %dma_start3A_172 = tpu.memref_slice %dma_start3A_171[%add3A_160] : memref<10240xf32, #tpu.memory_space<hbm>> -> memref<128xf32, #tpu.memory_space<hbm>>
      %dma_start3A_173 = tpu.memref_slice %arg18[%add3A_160] : memref<10240xf32, #tpu.memory_space<vmem_shared>> -> memref<128xf32, #tpu.memory_space<vmem_shared>>
      tpu.enqueue_dma source(%dma_start3A_173 : memref<128xf32, #tpu.memory_space<vmem_shared>>) target(%dma_start3A_172 : memref<128xf32, #tpu.memory_space<hbm>>) target_semaphore(%run_scoped3A : memref<!tpu.dma_semaphore, #tpu.memory_space<semaphore_mem>>)
      %dma_wait3A_174 = arith.constant 0 : i32
      %dma_wait3A_175 = tpu.memref_slice %arg5[%arg0, %dma_wait3A_174] : memref<2x10240xf32, #tpu.memory_space<hbm>> -> memref<1x10240xf32, #tpu.memory_space<hbm>>
      %dma_wait3A_176 = tpu.memref_squeeze %dma_wait3A_175 : memref<1x10240xf32, #tpu.memory_space<hbm>> -> memref<10240xf32, #tpu.memory_space<hbm>>
      %dma_wait3A_177 = tpu.memref_slice %dma_wait3A_176[%add3A_160] : memref<10240xf32, #tpu.memory_space<hbm>> -> memref<128xf32, #tpu.memory_space<hbm>>
      %dma_wait3A_178 = tpu.memref_slice %arg18[%add3A_160] : memref<10240xf32, #tpu.memory_space<vmem_shared>> -> memref<128xf32, #tpu.memory_space<vmem_shared>>
      tpu.wait_dma2 semaphore(%run_scoped3A : memref<!tpu.dma_semaphore, #tpu.memory_space<semaphore_mem>>) src(%dma_wait3A_178 : memref<128xf32, #tpu.memory_space<vmem_shared>>) dst(%dma_wait3A_177 : memref<128xf32, #tpu.memory_space<hbm>>)
      tpu.yield
    }) : () -> ()
    %mul3A_161 = arith.constant 640 : i32
    %mul3A_162 = arith.muli %arg1, %mul3A_161 : i32
    %add3A_163 = arith.constant 384 : i32
    %add3A_164 = arith.addi %mul3A_162, %add3A_163 : i32
    "tpu.region"() ({
      %run_scoped3A = tpu.sem_alloc : memref<!tpu.dma_semaphore, #tpu.memory_space<semaphore_mem>>
      %dma_start3A_169 = arith.constant 0 : i32
      %dma_start3A_170 = arith.constant 0 : i32
      %dma_start3A_171 = tpu.memref_slice %arg4[%arg0, %dma_start3A_169, %dma_start3A_170] : memref<2x10240x128xf32, #tpu.memory_space<hbm>> -> memref<1x10240x128xf32, #tpu.memory_space<hbm>>
      %dma_start3A_172 = tpu.memref_squeeze %dma_start3A_171 : memref<1x10240x128xf32, #tpu.memory_space<hbm>> -> memref<10240x128xf32, #tpu.memory_space<hbm>>
      %dma_start3A_173 = arith.constant 0 : i32
      %dma_start3A_174 = tpu.memref_slice %dma_start3A_172[%add3A_164, %dma_start3A_173] : memref<10240x128xf32, #tpu.memory_space<hbm>> -> memref<128x128xf32, #tpu.memory_space<hbm>>
      %dma_start3A_175 = arith.constant 0 : i32
      %dma_start3A_176 = tpu.memref_slice %arg17[%add3A_164, %dma_start3A_175] : memref<10240x128xf32, #tpu.memory_space<vmem_shared>> -> memref<128x128xf32, #tpu.memory_space<vmem_shared>>
      tpu.enqueue_dma source(%dma_start3A_176 : memref<128x128xf32, #tpu.memory_space<vmem_shared>>) target(%dma_start3A_174 : memref<128x128xf32, #tpu.memory_space<hbm>>) target_semaphore(%run_scoped3A : memref<!tpu.dma_semaphore, #tpu.memory_space<semaphore_mem>>)
      %dma_wait3A_177 = arith.constant 0 : i32
      %dma_wait3A_178 = arith.constant 0 : i32
      %dma_wait3A_179 = tpu.memref_slice %arg4[%arg0, %dma_wait3A_177, %dma_wait3A_178] : memref<2x10240x128xf32, #tpu.memory_space<hbm>> -> memref<1x10240x128xf32, #tpu.memory_space<hbm>>
      %dma_wait3A_180 = tpu.memref_squeeze %dma_wait3A_179 : memref<1x10240x128xf32, #tpu.memory_space<hbm>> -> memref<10240x128xf32, #tpu.memory_space<hbm>>
      %dma_wait3A_181 = arith.constant 0 : i32
      %dma_wait3A_182 = tpu.memref_slice %dma_wait3A_180[%add3A_164, %dma_wait3A_181] : memref<10240x128xf32, #tpu.memory_space<hbm>> -> memref<128x128xf32, #tpu.memory_space<hbm>>
      %dma_wait3A_183 = arith.constant 0 : i32
      %dma_wait3A_184 = tpu.memref_slice %arg17[%add3A_164, %dma_wait3A_183] : memref<10240x128xf32, #tpu.memory_space<vmem_shared>> -> memref<128x128xf32, #tpu.memory_space<vmem_shared>>
      tpu.wait_dma2 semaphore(%run_scoped3A : memref<!tpu.dma_semaphore, #tpu.memory_space<semaphore_mem>>) src(%dma_wait3A_184 : memref<128x128xf32, #tpu.memory_space<vmem_shared>>) dst(%dma_wait3A_182 : memref<128x128xf32, #tpu.memory_space<hbm>>)
      tpu.yield
    }) : () -> ()
    "tpu.region"() ({
      %run_scoped3A = tpu.sem_alloc : memref<!tpu.dma_semaphore, #tpu.memory_space<semaphore_mem>>
      %dma_start3A_169 = arith.constant 0 : i32
      %dma_start3A_170 = tpu.memref_slice %arg5[%arg0, %dma_start3A_169] : memref<2x10240xf32, #tpu.memory_space<hbm>> -> memref<1x10240xf32, #tpu.memory_space<hbm>>
      %dma_start3A_171 = tpu.memref_squeeze %dma_start3A_170 : memref<1x10240xf32, #tpu.memory_space<hbm>> -> memref<10240xf32, #tpu.memory_space<hbm>>
      %dma_start3A_172 = tpu.memref_slice %dma_start3A_171[%add3A_164] : memref<10240xf32, #tpu.memory_space<hbm>> -> memref<128xf32, #tpu.memory_space<hbm>>
      %dma_start3A_173 = tpu.memref_slice %arg18[%add3A_164] : memref<10240xf32, #tpu.memory_space<vmem_shared>> -> memref<128xf32, #tpu.memory_space<vmem_shared>>
      tpu.enqueue_dma source(%dma_start3A_173 : memref<128xf32, #tpu.memory_space<vmem_shared>>) target(%dma_start3A_172 : memref<128xf32, #tpu.memory_space<hbm>>) target_semaphore(%run_scoped3A : memref<!tpu.dma_semaphore, #tpu.memory_space<semaphore_mem>>)
      %dma_wait3A_174 = arith.constant 0 : i32
      %dma_wait3A_175 = tpu.memref_slice %arg5[%arg0, %dma_wait3A_174] : memref<2x10240xf32, #tpu.memory_space<hbm>> -> memref<1x10240xf32, #tpu.memory_space<hbm>>
      %dma_wait3A_176 = tpu.memref_squeeze %dma_wait3A_175 : memref<1x10240xf32, #tpu.memory_space<hbm>> -> memref<10240xf32, #tpu.memory_space<hbm>>
      %dma_wait3A_177 = tpu.memref_slice %dma_wait3A_176[%add3A_164] : memref<10240xf32, #tpu.memory_space<hbm>> -> memref<128xf32, #tpu.memory_space<hbm>>
      %dma_wait3A_178 = tpu.memref_slice %arg18[%add3A_164] : memref<10240xf32, #tpu.memory_space<vmem_shared>> -> memref<128xf32, #tpu.memory_space<vmem_shared>>
      tpu.wait_dma2 semaphore(%run_scoped3A : memref<!tpu.dma_semaphore, #tpu.memory_space<semaphore_mem>>) src(%dma_wait3A_178 : memref<128xf32, #tpu.memory_space<vmem_shared>>) dst(%dma_wait3A_177 : memref<128xf32, #tpu.memory_space<hbm>>)
      tpu.yield
    }) : () -> ()
    %mul3A_165 = arith.constant 640 : i32
    %mul3A_166 = arith.muli %arg1, %mul3A_165 : i32
    %add3A_167 = arith.constant 512 : i32
    %add3A_168 = arith.addi %mul3A_166, %add3A_167 : i32
    "tpu.region"() ({
      %run_scoped3A = tpu.sem_alloc : memref<!tpu.dma_semaphore, #tpu.memory_space<semaphore_mem>>
      %dma_start3A_169 = arith.constant 0 : i32
      %dma_start3A_170 = arith.constant 0 : i32
      %dma_start3A_171 = tpu.memref_slice %arg4[%arg0, %dma_start3A_169, %dma_start3A_170] : memref<2x10240x128xf32, #tpu.memory_space<hbm>> -> memref<1x10240x128xf32, #tpu.memory_space<hbm>>
      %dma_start3A_172 = tpu.memref_squeeze %dma_start3A_171 : memref<1x10240x128xf32, #tpu.memory_space<hbm>> -> memref<10240x128xf32, #tpu.memory_space<hbm>>
      %dma_start3A_173 = arith.constant 0 : i32
      %dma_start3A_174 = tpu.memref_slice %dma_start3A_172[%add3A_168, %dma_start3A_173] : memref<10240x128xf32, #tpu.memory_space<hbm>> -> memref<128x128xf32, #tpu.memory_space<hbm>>
      %dma_start3A_175 = arith.constant 0 : i32
      %dma_start3A_176 = tpu.memref_slice %arg17[%add3A_168, %dma_start3A_175] : memref<10240x128xf32, #tpu.memory_space<vmem_shared>> -> memref<128x128xf32, #tpu.memory_space<vmem_shared>>
      tpu.enqueue_dma source(%dma_start3A_176 : memref<128x128xf32, #tpu.memory_space<vmem_shared>>) target(%dma_start3A_174 : memref<128x128xf32, #tpu.memory_space<hbm>>) target_semaphore(%run_scoped3A : memref<!tpu.dma_semaphore, #tpu.memory_space<semaphore_mem>>)
      %dma_wait3A_177 = arith.constant 0 : i32
      %dma_wait3A_178 = arith.constant 0 : i32
      %dma_wait3A_179 = tpu.memref_slice %arg4[%arg0, %dma_wait3A_177, %dma_wait3A_178] : memref<2x10240x128xf32, #tpu.memory_space<hbm>> -> memref<1x10240x128xf32, #tpu.memory_space<hbm>>
      %dma_wait3A_180 = tpu.memref_squeeze %dma_wait3A_179 : memref<1x10240x128xf32, #tpu.memory_space<hbm>> -> memref<10240x128xf32, #tpu.memory_space<hbm>>
      %dma_wait3A_181 = arith.constant 0 : i32
      %dma_wait3A_182 = tpu.memref_slice %dma_wait3A_180[%add3A_168, %dma_wait3A_181] : memref<10240x128xf32, #tpu.memory_space<hbm>> -> memref<128x128xf32, #tpu.memory_space<hbm>>
      %dma_wait3A_183 = arith.constant 0 : i32
      %dma_wait3A_184 = tpu.memref_slice %arg17[%add3A_168, %dma_wait3A_183] : memref<10240x128xf32, #tpu.memory_space<vmem_shared>> -> memref<128x128xf32, #tpu.memory_space<vmem_shared>>
      tpu.wait_dma2 semaphore(%run_scoped3A : memref<!tpu.dma_semaphore, #tpu.memory_space<semaphore_mem>>) src(%dma_wait3A_184 : memref<128x128xf32, #tpu.memory_space<vmem_shared>>) dst(%dma_wait3A_182 : memref<128x128xf32, #tpu.memory_space<hbm>>)
      tpu.yield
    }) : () -> ()
    "tpu.region"() ({
      %run_scoped3A = tpu.sem_alloc : memref<!tpu.dma_semaphore, #tpu.memory_space<semaphore_mem>>
      %dma_start3A_169 = arith.constant 0 : i32
      %dma_start3A_170 = tpu.memref_slice %arg5[%arg0, %dma_start3A_169] : memref<2x10240xf32, #tpu.memory_space<hbm>> -> memref<1x10240xf32, #tpu.memory_space<hbm>>
      %dma_start3A_171 = tpu.memref_squeeze %dma_start3A_170 : memref<1x10240xf32, #tpu.memory_space<hbm>> -> memref<10240xf32, #tpu.memory_space<hbm>>
      %dma_start3A_172 = tpu.memref_slice %dma_start3A_171[%add3A_168] : memref<10240xf32, #tpu.memory_space<hbm>> -> memref<128xf32, #tpu.memory_space<hbm>>
      %dma_start3A_173 = tpu.memref_slice %arg18[%add3A_168] : memref<10240xf32, #tpu.memory_space<vmem_shared>> -> memref<128xf32, #tpu.memory_space<vmem_shared>>
      tpu.enqueue_dma source(%dma_start3A_173 : memref<128xf32, #tpu.memory_space<vmem_shared>>) target(%dma_start3A_172 : memref<128xf32, #tpu.memory_space<hbm>>) target_semaphore(%run_scoped3A : memref<!tpu.dma_semaphore, #tpu.memory_space<semaphore_mem>>)
      %dma_wait3A_174 = arith.constant 0 : i32
      %dma_wait3A_175 = tpu.memref_slice %arg5[%arg0, %dma_wait3A_174] : memref<2x10240xf32, #tpu.memory_space<hbm>> -> memref<1x10240xf32, #tpu.memory_space<hbm>>
      %dma_wait3A_176 = tpu.memref_squeeze %dma_wait3A_175 : memref<1x10240xf32, #tpu.memory_space<hbm>> -> memref<10240xf32, #tpu.memory_space<hbm>>
      %dma_wait3A_177 = tpu.memref_slice %dma_wait3A_176[%add3A_168] : memref<10240xf32, #tpu.memory_space<hbm>> -> memref<128xf32, #tpu.memory_space<hbm>>
      %dma_wait3A_178 = tpu.memref_slice %arg18[%add3A_168] : memref<10240xf32, #tpu.memory_space<vmem_shared>> -> memref<128xf32, #tpu.memory_space<vmem_shared>>
      tpu.wait_dma2 semaphore(%run_scoped3A : memref<!tpu.dma_semaphore, #tpu.memory_space<semaphore_mem>>) src(%dma_wait3A_178 : memref<128xf32, #tpu.memory_space<vmem_shared>>) dst(%dma_wait3A_177 : memref<128xf32, #tpu.memory_space<hbm>>)
      tpu.yield
    }) : () -> ()
    return
  }
}

#map = affine_map<(d0, d1) -> (0, 0)>
#map1 = affine_map<(d0, d1) -> (0, 0, 0)>
module attributes {stable_mosaic.version = 14 : i64} {
  func.func @_gather_body(%arg0: i32, %arg1: i32, %arg2: memref<10000x128xf32, #tpu.memory_space<hbm>>, %arg3: memref<10000x128xf32, #tpu.memory_space<hbm>>, %arg4: memref<32x250x40xi32, #tpu.memory_space<hbm>>, %arg5: memref<32x250x40xi32, #tpu.memory_space<hbm>>, %arg6: memref<320000x128xf32, #tpu.memory_space<hbm>>, %arg7: memref<250x40xi32, #tpu.memory_space<vmem>>, %arg8: memref<250x40xi32, #tpu.memory_space<vmem>>, %arg9: memref<40x128xf32, #tpu.memory_space<vmem>>, %arg10: memref<40x128xf32, #tpu.memory_space<vmem>>, %arg11: memref<40x128xf32, #tpu.memory_space<vmem>>, %arg12: memref<40x128xf32, #tpu.memory_space<vmem>>, %arg13: memref<!tpu.dma_semaphore, #tpu.memory_space<semaphore_mem>>, %arg14: memref<!tpu.dma_semaphore, #tpu.memory_space<semaphore_mem>>, %arg15: memref<!tpu.dma_semaphore, #tpu.memory_space<semaphore_mem>>, %arg16: memref<!tpu.dma_semaphore, #tpu.memory_space<semaphore_mem>>, %arg17: memref<!tpu.dma_semaphore, #tpu.memory_space<semaphore_mem>>, %arg18: memref<!tpu.dma_semaphore, #tpu.memory_space<semaphore_mem>>) attributes {dimension_semantics = [#tpu.dimension_semantics<core_parallel>, #tpu.dimension_semantics<subcore_parallel>], iteration_bounds = array<i64: 2, 16>, scalar_prefetch = 0 : i64, scratch_operands = 12 : i64, tpu.core_type = #tpu.core_type<sc_vector_subcore>, window_params = [{transform_indices = #map}, {transform_indices = #map}, {transform_indices = #map1}, {transform_indices = #map1}, {transform_indices = #map}]} {
    %mul3A = arith.constant 2 : i32
    %mul3A_0 = arith.muli %arg1, %mul3A : i32
    %add3A = arith.addi %mul3A_0, %arg0 : i32
    "tpu.region"() ({
      %run_scoped3A = tpu.sem_alloc : memref<!tpu.dma_semaphore, #tpu.memory_space<semaphore_mem>>
      %dma_start3A_25 = arith.constant 0 : i32
      %dma_start3A_26 = arith.constant 0 : i32
      %dma_start3A_27 = tpu.memref_slice %arg4[%add3A, %dma_start3A_25, %dma_start3A_26] : memref<32x250x40xi32, #tpu.memory_space<hbm>> -> memref<1x250x40xi32, #tpu.memory_space<hbm>>
      %dma_start3A_28 = tpu.memref_squeeze %dma_start3A_27 : memref<1x250x40xi32, #tpu.memory_space<hbm>> -> memref<250x40xi32, #tpu.memory_space<hbm>>
      %dma_start3A_29 = arith.constant 0 : i32
      %dma_start3A_30 = arith.constant 0 : i32
      %dma_start3A_31 = tpu.memref_slice %arg4[%add3A, %dma_start3A_29, %dma_start3A_30] : memref<32x250x40xi32, #tpu.memory_space<hbm>> -> memref<1x250x40xi32, #tpu.memory_space<hbm>>
      %dma_start3A_32 = tpu.memref_squeeze %dma_start3A_31 : memref<1x250x40xi32, #tpu.memory_space<hbm>> -> memref<250x40xi32, #tpu.memory_space<hbm>>
      tpu.enqueue_dma source(%dma_start3A_32 : memref<250x40xi32, #tpu.memory_space<hbm>>) target(%arg7 : memref<250x40xi32, #tpu.memory_space<vmem>>) target_semaphore(%run_scoped3A : memref<!tpu.dma_semaphore, #tpu.memory_space<semaphore_mem>>)
      %dma_wait3A_33 = arith.constant 0 : i32
      %dma_wait3A_34 = arith.constant 0 : i32
      %dma_wait3A_35 = tpu.memref_slice %arg4[%add3A, %dma_wait3A_33, %dma_wait3A_34] : memref<32x250x40xi32, #tpu.memory_space<hbm>> -> memref<1x250x40xi32, #tpu.memory_space<hbm>>
      %dma_wait3A_36 = tpu.memref_squeeze %dma_wait3A_35 : memref<1x250x40xi32, #tpu.memory_space<hbm>> -> memref<250x40xi32, #tpu.memory_space<hbm>>
      %dma_wait3A_37 = arith.constant 0 : i32
      %dma_wait3A_38 = arith.constant 0 : i32
      %dma_wait3A_39 = tpu.memref_slice %arg4[%add3A, %dma_wait3A_37, %dma_wait3A_38] : memref<32x250x40xi32, #tpu.memory_space<hbm>> -> memref<1x250x40xi32, #tpu.memory_space<hbm>>
      %dma_wait3A_40 = tpu.memref_squeeze %dma_wait3A_39 : memref<1x250x40xi32, #tpu.memory_space<hbm>> -> memref<250x40xi32, #tpu.memory_space<hbm>>
      tpu.wait_dma2 semaphore(%run_scoped3A : memref<!tpu.dma_semaphore, #tpu.memory_space<semaphore_mem>>) src(%dma_wait3A_40 : memref<250x40xi32, #tpu.memory_space<hbm>>) dst(%arg7 : memref<250x40xi32, #tpu.memory_space<vmem>>)
      tpu.yield
    }) : () -> ()
    "tpu.region"() ({
      %run_scoped3A = tpu.sem_alloc : memref<!tpu.dma_semaphore, #tpu.memory_space<semaphore_mem>>
      %dma_start3A_25 = arith.constant 0 : i32
      %dma_start3A_26 = arith.constant 0 : i32
      %dma_start3A_27 = tpu.memref_slice %arg5[%add3A, %dma_start3A_25, %dma_start3A_26] : memref<32x250x40xi32, #tpu.memory_space<hbm>> -> memref<1x250x40xi32, #tpu.memory_space<hbm>>
      %dma_start3A_28 = tpu.memref_squeeze %dma_start3A_27 : memref<1x250x40xi32, #tpu.memory_space<hbm>> -> memref<250x40xi32, #tpu.memory_space<hbm>>
      %dma_start3A_29 = arith.constant 0 : i32
      %dma_start3A_30 = arith.constant 0 : i32
      %dma_start3A_31 = tpu.memref_slice %arg5[%add3A, %dma_start3A_29, %dma_start3A_30] : memref<32x250x40xi32, #tpu.memory_space<hbm>> -> memref<1x250x40xi32, #tpu.memory_space<hbm>>
      %dma_start3A_32 = tpu.memref_squeeze %dma_start3A_31 : memref<1x250x40xi32, #tpu.memory_space<hbm>> -> memref<250x40xi32, #tpu.memory_space<hbm>>
      tpu.enqueue_dma source(%dma_start3A_32 : memref<250x40xi32, #tpu.memory_space<hbm>>) target(%arg8 : memref<250x40xi32, #tpu.memory_space<vmem>>) target_semaphore(%run_scoped3A : memref<!tpu.dma_semaphore, #tpu.memory_space<semaphore_mem>>)
      %dma_wait3A_33 = arith.constant 0 : i32
      %dma_wait3A_34 = arith.constant 0 : i32
      %dma_wait3A_35 = tpu.memref_slice %arg5[%add3A, %dma_wait3A_33, %dma_wait3A_34] : memref<32x250x40xi32, #tpu.memory_space<hbm>> -> memref<1x250x40xi32, #tpu.memory_space<hbm>>
      %dma_wait3A_36 = tpu.memref_squeeze %dma_wait3A_35 : memref<1x250x40xi32, #tpu.memory_space<hbm>> -> memref<250x40xi32, #tpu.memory_space<hbm>>
      %dma_wait3A_37 = arith.constant 0 : i32
      %dma_wait3A_38 = arith.constant 0 : i32
      %dma_wait3A_39 = tpu.memref_slice %arg5[%add3A, %dma_wait3A_37, %dma_wait3A_38] : memref<32x250x40xi32, #tpu.memory_space<hbm>> -> memref<1x250x40xi32, #tpu.memory_space<hbm>>
      %dma_wait3A_40 = tpu.memref_squeeze %dma_wait3A_39 : memref<1x250x40xi32, #tpu.memory_space<hbm>> -> memref<250x40xi32, #tpu.memory_space<hbm>>
      tpu.wait_dma2 semaphore(%run_scoped3A : memref<!tpu.dma_semaphore, #tpu.memory_space<semaphore_mem>>) src(%dma_wait3A_40 : memref<250x40xi32, #tpu.memory_space<hbm>>) dst(%arg8 : memref<250x40xi32, #tpu.memory_space<vmem>>)
      tpu.yield
    }) : () -> ()
    %mul3A_1 = arith.constant 10000 : i32
    %mul3A_2 = arith.muli %add3A, %mul3A_1 : i32
    %dma_start3A = arith.constant 0 : i32
    %dma_start3A_3 = arith.constant 0 : i32
    %dma_start3A_4 = tpu.memref_slice %arg7[%dma_start3A, %dma_start3A_3] : memref<250x40xi32, #tpu.memory_space<vmem>> -> memref<1x40xi32, #tpu.memory_space<vmem>>
    %dma_start3A_5 = tpu.memref_squeeze %dma_start3A_4 : memref<1x40xi32, #tpu.memory_space<vmem>> -> memref<40xi32, #tpu.memory_space<vmem>>
    %dma_start3A_6 = arith.constant 0 : i32
    %dma_start3A_7 = arith.constant 0 : i32
    %dma_start3A_8 = tpu.memref_slice %arg2[%dma_start3A_6, %dma_start3A_7] : memref<10000x128xf32, #tpu.memory_space<hbm>> -> memref<10000x128xf32, #tpu.memory_space<hbm>>
    tpu.enqueue_indirect_dma source(%dma_start3A_8 : memref<10000x128xf32, #tpu.memory_space<hbm>>) target(%arg9 : memref<40x128xf32, #tpu.memory_space<vmem>>) offsets(%dma_start3A_5 : memref<40xi32, #tpu.memory_space<vmem>>) semaphore(%arg13 : memref<!tpu.dma_semaphore, #tpu.memory_space<semaphore_mem>>)
    %dma_start3A_9 = arith.constant 0 : i32
    %dma_start3A_10 = arith.constant 0 : i32
    %dma_start3A_11 = tpu.memref_slice %arg8[%dma_start3A_9, %dma_start3A_10] : memref<250x40xi32, #tpu.memory_space<vmem>> -> memref<1x40xi32, #tpu.memory_space<vmem>>
    %dma_start3A_12 = tpu.memref_squeeze %dma_start3A_11 : memref<1x40xi32, #tpu.memory_space<vmem>> -> memref<40xi32, #tpu.memory_space<vmem>>
    %dma_start3A_13 = arith.constant 0 : i32
    %dma_start3A_14 = arith.constant 0 : i32
    %dma_start3A_15 = tpu.memref_slice %arg3[%dma_start3A_13, %dma_start3A_14] : memref<10000x128xf32, #tpu.memory_space<hbm>> -> memref<10000x128xf32, #tpu.memory_space<hbm>>
    tpu.enqueue_indirect_dma source(%dma_start3A_15 : memref<10000x128xf32, #tpu.memory_space<hbm>>) target(%arg10 : memref<40x128xf32, #tpu.memory_space<vmem>>) offsets(%dma_start3A_12 : memref<40xi32, #tpu.memory_space<vmem>>) semaphore(%arg14 : memref<!tpu.dma_semaphore, #tpu.memory_space<semaphore_mem>>)
    %scan3A = arith.constant 0 : i32
    %scan3A_16 = arith.constant 125 : i32
    %scan3A_17 = arith.addi %scan3A, %scan3A_16 : i32
    %scan3A_18 = arith.constant 1 : i32
    scf.for %scan3A_25 = %scan3A to %scan3A_17 step %scan3A_18  : i32 {
      %mul3A_26 = arith.constant 2 : i32
      %mul3A_27 = arith.muli %scan3A_25, %mul3A_26 : i32
      %add3A_28 = arith.constant 0 : i32
      %add3A_29 = arith.addi %add3A_28, %mul3A_27 : i32
      %dma_wait3A_30 = arith.constant 0 : i32
      %dma_wait3A_31 = tpu.memref_slice %arg7[%add3A_29, %dma_wait3A_30] : memref<250x40xi32, #tpu.memory_space<vmem>> -> memref<1x40xi32, #tpu.memory_space<vmem>>
      %dma_wait3A_32 = tpu.memref_squeeze %dma_wait3A_31 : memref<1x40xi32, #tpu.memory_space<vmem>> -> memref<40xi32, #tpu.memory_space<vmem>>
      %dma_wait3A_33 = arith.constant 0 : i32
      %dma_wait3A_34 = arith.constant 0 : i32
      %dma_wait3A_35 = tpu.memref_slice %arg2[%dma_wait3A_33, %dma_wait3A_34] : memref<10000x128xf32, #tpu.memory_space<hbm>> -> memref<10000x128xf32, #tpu.memory_space<hbm>>
      tpu.wait_indirect_dma semaphore(%arg13 : memref<!tpu.dma_semaphore, #tpu.memory_space<semaphore_mem>>) src(%dma_wait3A_35 : memref<10000x128xf32, #tpu.memory_space<hbm>>) dst(%arg9 : memref<40x128xf32, #tpu.memory_space<vmem>>)
      %dma_wait3A_36 = arith.constant 0 : i32
      %dma_wait3A_37 = tpu.memref_slice %arg8[%add3A_29, %dma_wait3A_36] : memref<250x40xi32, #tpu.memory_space<vmem>> -> memref<1x40xi32, #tpu.memory_space<vmem>>
      %dma_wait3A_38 = tpu.memref_squeeze %dma_wait3A_37 : memref<1x40xi32, #tpu.memory_space<vmem>> -> memref<40xi32, #tpu.memory_space<vmem>>
      %dma_wait3A_39 = arith.constant 0 : i32
      %dma_wait3A_40 = arith.constant 0 : i32
      %dma_wait3A_41 = tpu.memref_slice %arg3[%dma_wait3A_39, %dma_wait3A_40] : memref<10000x128xf32, #tpu.memory_space<hbm>> -> memref<10000x128xf32, #tpu.memory_space<hbm>>
      tpu.wait_indirect_dma semaphore(%arg14 : memref<!tpu.dma_semaphore, #tpu.memory_space<semaphore_mem>>) src(%dma_wait3A_41 : memref<10000x128xf32, #tpu.memory_space<hbm>>) dst(%arg10 : memref<40x128xf32, #tpu.memory_space<vmem>>)
      %gt3A = arith.constant 0 : i32
      %gt3A_42 = arith.cmpi sgt, %add3A_29, %gt3A : i32
      %convert_element_type3A = arith.extui %gt3A_42 : i1 to i32
      %cond3A = arith.constant 0 : i32
      %cond3A_43 = arith.cmpi ne, %convert_element_type3A, %cond3A : i32
      scf.if %cond3A_43 {
        %sub3A = arith.constant 1 : i32
        %sub3A_111 = arith.subi %add3A_29, %sub3A : i32
        %mul3A_112 = arith.constant 40 : i32
        %mul3A_113 = arith.muli %sub3A_111, %mul3A_112 : i32
        %add3A_114 = arith.addi %mul3A_2, %mul3A_113 : i32
        %dma_wait3A_115 = arith.constant 0 : i32
        %dma_wait3A_116 = tpu.memref_slice %arg6[%add3A_114, %dma_wait3A_115] : memref<320000x128xf32, #tpu.memory_space<hbm>> -> memref<40x128xf32, #tpu.memory_space<hbm>>
        %dma_wait3A_117 = arith.constant 0 : i32
        %dma_wait3A_118 = tpu.memref_slice %arg6[%add3A_114, %dma_wait3A_117] : memref<320000x128xf32, #tpu.memory_space<hbm>> -> memref<40x128xf32, #tpu.memory_space<hbm>>
        tpu.wait_dma2 semaphore(%arg18 : memref<!tpu.dma_semaphore, #tpu.memory_space<semaphore_mem>>) src(%arg11 : memref<40x128xf32, #tpu.memory_space<vmem>>) dst(%dma_wait3A_118 : memref<40x128xf32, #tpu.memory_space<hbm>>)
      } else {
      }
      %add3A_44 = arith.constant 1 : i32
      %add3A_45 = arith.addi %add3A_29, %add3A_44 : i32
      %dma_start3A_46 = arith.constant 0 : i32
      %dma_start3A_47 = tpu.memref_slice %arg7[%add3A_45, %dma_start3A_46] : memref<250x40xi32, #tpu.memory_space<vmem>> -> memref<1x40xi32, #tpu.memory_space<vmem>>
      %dma_start3A_48 = tpu.memref_squeeze %dma_start3A_47 : memref<1x40xi32, #tpu.memory_space<vmem>> -> memref<40xi32, #tpu.memory_space<vmem>>
      %dma_start3A_49 = arith.constant 0 : i32
      %dma_start3A_50 = arith.constant 0 : i32
      %dma_start3A_51 = tpu.memref_slice %arg2[%dma_start3A_49, %dma_start3A_50] : memref<10000x128xf32, #tpu.memory_space<hbm>> -> memref<10000x128xf32, #tpu.memory_space<hbm>>
      tpu.enqueue_indirect_dma source(%dma_start3A_51 : memref<10000x128xf32, #tpu.memory_space<hbm>>) target(%arg11 : memref<40x128xf32, #tpu.memory_space<vmem>>) offsets(%dma_start3A_48 : memref<40xi32, #tpu.memory_space<vmem>>) semaphore(%arg15 : memref<!tpu.dma_semaphore, #tpu.memory_space<semaphore_mem>>)
      %dma_start3A_52 = arith.constant 0 : i32
      %dma_start3A_53 = tpu.memref_slice %arg8[%add3A_45, %dma_start3A_52] : memref<250x40xi32, #tpu.memory_space<vmem>> -> memref<1x40xi32, #tpu.memory_space<vmem>>
      %dma_start3A_54 = tpu.memref_squeeze %dma_start3A_53 : memref<1x40xi32, #tpu.memory_space<vmem>> -> memref<40xi32, #tpu.memory_space<vmem>>
      %dma_start3A_55 = arith.constant 0 : i32
      %dma_start3A_56 = arith.constant 0 : i32
      %dma_start3A_57 = tpu.memref_slice %arg3[%dma_start3A_55, %dma_start3A_56] : memref<10000x128xf32, #tpu.memory_space<hbm>> -> memref<10000x128xf32, #tpu.memory_space<hbm>>
      tpu.enqueue_indirect_dma source(%dma_start3A_57 : memref<10000x128xf32, #tpu.memory_space<hbm>>) target(%arg12 : memref<40x128xf32, #tpu.memory_space<vmem>>) offsets(%dma_start3A_54 : memref<40xi32, #tpu.memory_space<vmem>>) semaphore(%arg16 : memref<!tpu.dma_semaphore, #tpu.memory_space<semaphore_mem>>)
      %scan3A_58 = arith.constant 0 : i32
      %scan3A_59 = arith.constant 40 : i32
      %scan3A_60 = arith.addi %scan3A_58, %scan3A_59 : i32
      %scan3A_61 = arith.constant 1 : i32
      scf.for %scan3A_111 = %scan3A_58 to %scan3A_60 step %scan3A_61  : i32 {
        %mul3A_112 = arith.constant 1 : i32
        %mul3A_113 = arith.muli %scan3A_111, %mul3A_112 : i32
        %add3A_114 = arith.constant 0 : i32
        %add3A_115 = arith.addi %add3A_114, %mul3A_113 : i32
        %get3A = arith.index_cast %add3A_115 : i32 to index
        %get3A_116 = arith.constant 0 : index
        %get3A_117 = tpu.vector_load %arg9[%get3A, %get3A_116] {strides = array<i32>} : memref<40x128xf32, #tpu.memory_space<vmem>>, vector<1x16xf32>,
        %get3A_118 = vector.shape_cast %get3A_117 : vector<1x16xf32> to vector<16xf32>
        %get3A_119 = arith.index_cast %add3A_115 : i32 to index
        %get3A_120 = arith.constant 0 : index
        %get3A_121 = tpu.vector_load %arg10[%get3A_119, %get3A_120] {strides = array<i32>} : memref<40x128xf32, #tpu.memory_space<vmem>>, vector<1x16xf32>,
        %get3A_122 = vector.shape_cast %get3A_121 : vector<1x16xf32> to vector<16xf32>
        %add3A_123 = arith.addf %get3A_118, %get3A_122 : vector<16xf32>
        %swap3A = arith.index_cast %add3A_115 : i32 to index
        %swap3A_124 = arith.constant 0 : index
        %swap3A_125 = tpu.vector_load %arg9[%swap3A, %swap3A_124] {strides = array<i32>} : memref<40x128xf32, #tpu.memory_space<vmem>>, vector<1x16xf32>,
        %swap3A_126 = vector.shape_cast %swap3A_125 : vector<1x16xf32> to vector<16xf32>
        %swap3A_127 = vector.shape_cast %add3A_123 : vector<16xf32> to vector<1x16xf32>
        tpu.vector_store %arg9[%swap3A, %swap3A_124], %swap3A_127 {strides = array<i32>} : memref<40x128xf32, #tpu.memory_space<vmem>>, vector<1x16xf32>,
        %get3A_128 = arith.index_cast %add3A_115 : i32 to index
        %get3A_129 = arith.constant 16 : index
        %get3A_130 = tpu.vector_load %arg9[%get3A_128, %get3A_129] {strides = array<i32>} : memref<40x128xf32, #tpu.memory_space<vmem>>, vector<1x16xf32>,
        %get3A_131 = vector.shape_cast %get3A_130 : vector<1x16xf32> to vector<16xf32>
        %get3A_132 = arith.index_cast %add3A_115 : i32 to index
        %get3A_133 = arith.constant 16 : index
        %get3A_134 = tpu.vector_load %arg10[%get3A_132, %get3A_133] {strides = array<i32>} : memref<40x128xf32, #tpu.memory_space<vmem>>, vector<1x16xf32>,
        %get3A_135 = vector.shape_cast %get3A_134 : vector<1x16xf32> to vector<16xf32>
        %add3A_136 = arith.addf %get3A_131, %get3A_135 : vector<16xf32>
        %swap3A_137 = arith.index_cast %add3A_115 : i32 to index
        %swap3A_138 = arith.constant 16 : index
        %swap3A_139 = tpu.vector_load %arg9[%swap3A_137, %swap3A_138] {strides = array<i32>} : memref<40x128xf32, #tpu.memory_space<vmem>>, vector<1x16xf32>,
        %swap3A_140 = vector.shape_cast %swap3A_139 : vector<1x16xf32> to vector<16xf32>
        %swap3A_141 = vector.shape_cast %add3A_136 : vector<16xf32> to vector<1x16xf32>
        tpu.vector_store %arg9[%swap3A_137, %swap3A_138], %swap3A_141 {strides = array<i32>} : memref<40x128xf32, #tpu.memory_space<vmem>>, vector<1x16xf32>,
        %get3A_142 = arith.index_cast %add3A_115 : i32 to index
        %get3A_143 = arith.constant 32 : index
        %get3A_144 = tpu.vector_load %arg9[%get3A_142, %get3A_143] {strides = array<i32>} : memref<40x128xf32, #tpu.memory_space<vmem>>, vector<1x16xf32>,
        %get3A_145 = vector.shape_cast %get3A_144 : vector<1x16xf32> to vector<16xf32>
        %get3A_146 = arith.index_cast %add3A_115 : i32 to index
        %get3A_147 = arith.constant 32 : index
        %get3A_148 = tpu.vector_load %arg10[%get3A_146, %get3A_147] {strides = array<i32>} : memref<40x128xf32, #tpu.memory_space<vmem>>, vector<1x16xf32>,
        %get3A_149 = vector.shape_cast %get3A_148 : vector<1x16xf32> to vector<16xf32>
        %add3A_150 = arith.addf %get3A_145, %get3A_149 : vector<16xf32>
        %swap3A_151 = arith.index_cast %add3A_115 : i32 to index
        %swap3A_152 = arith.constant 32 : index
        %swap3A_153 = tpu.vector_load %arg9[%swap3A_151, %swap3A_152] {strides = array<i32>} : memref<40x128xf32, #tpu.memory_space<vmem>>, vector<1x16xf32>,
        %swap3A_154 = vector.shape_cast %swap3A_153 : vector<1x16xf32> to vector<16xf32>
        %swap3A_155 = vector.shape_cast %add3A_150 : vector<16xf32> to vector<1x16xf32>
        tpu.vector_store %arg9[%swap3A_151, %swap3A_152], %swap3A_155 {strides = array<i32>} : memref<40x128xf32, #tpu.memory_space<vmem>>, vector<1x16xf32>,
        %get3A_156 = arith.index_cast %add3A_115 : i32 to index
        %get3A_157 = arith.constant 48 : index
        %get3A_158 = tpu.vector_load %arg9[%get3A_156, %get3A_157] {strides = array<i32>} : memref<40x128xf32, #tpu.memory_space<vmem>>, vector<1x16xf32>,
        %get3A_159 = vector.shape_cast %get3A_158 : vector<1x16xf32> to vector<16xf32>
        %get3A_160 = arith.index_cast %add3A_115 : i32 to index
        %get3A_161 = arith.constant 48 : index
        %get3A_162 = tpu.vector_load %arg10[%get3A_160, %get3A_161] {strides = array<i32>} : memref<40x128xf32, #tpu.memory_space<vmem>>, vector<1x16xf32>,
        %get3A_163 = vector.shape_cast %get3A_162 : vector<1x16xf32> to vector<16xf32>
        %add3A_164 = arith.addf %get3A_159, %get3A_163 : vector<16xf32>
        %swap3A_165 = arith.index_cast %add3A_115 : i32 to index
        %swap3A_166 = arith.constant 48 : index
        %swap3A_167 = tpu.vector_load %arg9[%swap3A_165, %swap3A_166] {strides = array<i32>} : memref<40x128xf32, #tpu.memory_space<vmem>>, vector<1x16xf32>,
        %swap3A_168 = vector.shape_cast %swap3A_167 : vector<1x16xf32> to vector<16xf32>
        %swap3A_169 = vector.shape_cast %add3A_164 : vector<16xf32> to vector<1x16xf32>
        tpu.vector_store %arg9[%swap3A_165, %swap3A_166], %swap3A_169 {strides = array<i32>} : memref<40x128xf32, #tpu.memory_space<vmem>>, vector<1x16xf32>,
        %get3A_170 = arith.index_cast %add3A_115 : i32 to index
        %get3A_171 = arith.constant 64 : index
        %get3A_172 = tpu.vector_load %arg9[%get3A_170, %get3A_171] {strides = array<i32>} : memref<40x128xf32, #tpu.memory_space<vmem>>, vector<1x16xf32>,
        %get3A_173 = vector.shape_cast %get3A_172 : vector<1x16xf32> to vector<16xf32>
        %get3A_174 = arith.index_cast %add3A_115 : i32 to index
        %get3A_175 = arith.constant 64 : index
        %get3A_176 = tpu.vector_load %arg10[%get3A_174, %get3A_175] {strides = array<i32>} : memref<40x128xf32, #tpu.memory_space<vmem>>, vector<1x16xf32>,
        %get3A_177 = vector.shape_cast %get3A_176 : vector<1x16xf32> to vector<16xf32>
        %add3A_178 = arith.addf %get3A_173, %get3A_177 : vector<16xf32>
        %swap3A_179 = arith.index_cast %add3A_115 : i32 to index
        %swap3A_180 = arith.constant 64 : index
        %swap3A_181 = tpu.vector_load %arg9[%swap3A_179, %swap3A_180] {strides = array<i32>} : memref<40x128xf32, #tpu.memory_space<vmem>>, vector<1x16xf32>,
        %swap3A_182 = vector.shape_cast %swap3A_181 : vector<1x16xf32> to vector<16xf32>
        %swap3A_183 = vector.shape_cast %add3A_178 : vector<16xf32> to vector<1x16xf32>
        tpu.vector_store %arg9[%swap3A_179, %swap3A_180], %swap3A_183 {strides = array<i32>} : memref<40x128xf32, #tpu.memory_space<vmem>>, vector<1x16xf32>,
        %get3A_184 = arith.index_cast %add3A_115 : i32 to index
        %get3A_185 = arith.constant 80 : index
        %get3A_186 = tpu.vector_load %arg9[%get3A_184, %get3A_185] {strides = array<i32>} : memref<40x128xf32, #tpu.memory_space<vmem>>, vector<1x16xf32>,
        %get3A_187 = vector.shape_cast %get3A_186 : vector<1x16xf32> to vector<16xf32>
        %get3A_188 = arith.index_cast %add3A_115 : i32 to index
        %get3A_189 = arith.constant 80 : index
        %get3A_190 = tpu.vector_load %arg10[%get3A_188, %get3A_189] {strides = array<i32>} : memref<40x128xf32, #tpu.memory_space<vmem>>, vector<1x16xf32>,
        %get3A_191 = vector.shape_cast %get3A_190 : vector<1x16xf32> to vector<16xf32>
        %add3A_192 = arith.addf %get3A_187, %get3A_191 : vector<16xf32>
        %swap3A_193 = arith.index_cast %add3A_115 : i32 to index
        %swap3A_194 = arith.constant 80 : index
        %swap3A_195 = tpu.vector_load %arg9[%swap3A_193, %swap3A_194] {strides = array<i32>} : memref<40x128xf32, #tpu.memory_space<vmem>>, vector<1x16xf32>,
        %swap3A_196 = vector.shape_cast %swap3A_195 : vector<1x16xf32> to vector<16xf32>
        %swap3A_197 = vector.shape_cast %add3A_192 : vector<16xf32> to vector<1x16xf32>
        tpu.vector_store %arg9[%swap3A_193, %swap3A_194], %swap3A_197 {strides = array<i32>} : memref<40x128xf32, #tpu.memory_space<vmem>>, vector<1x16xf32>,
        %get3A_198 = arith.index_cast %add3A_115 : i32 to index
        %get3A_199 = arith.constant 96 : index
        %get3A_200 = tpu.vector_load %arg9[%get3A_198, %get3A_199] {strides = array<i32>} : memref<40x128xf32, #tpu.memory_space<vmem>>, vector<1x16xf32>,
        %get3A_201 = vector.shape_cast %get3A_200 : vector<1x16xf32> to vector<16xf32>
        %get3A_202 = arith.index_cast %add3A_115 : i32 to index
        %get3A_203 = arith.constant 96 : index
        %get3A_204 = tpu.vector_load %arg10[%get3A_202, %get3A_203] {strides = array<i32>} : memref<40x128xf32, #tpu.memory_space<vmem>>, vector<1x16xf32>,
        %get3A_205 = vector.shape_cast %get3A_204 : vector<1x16xf32> to vector<16xf32>
        %add3A_206 = arith.addf %get3A_201, %get3A_205 : vector<16xf32>
        %swap3A_207 = arith.index_cast %add3A_115 : i32 to index
        %swap3A_208 = arith.constant 96 : index
        %swap3A_209 = tpu.vector_load %arg9[%swap3A_207, %swap3A_208] {strides = array<i32>} : memref<40x128xf32, #tpu.memory_space<vmem>>, vector<1x16xf32>,
        %swap3A_210 = vector.shape_cast %swap3A_209 : vector<1x16xf32> to vector<16xf32>
        %swap3A_211 = vector.shape_cast %add3A_206 : vector<16xf32> to vector<1x16xf32>
        tpu.vector_store %arg9[%swap3A_207, %swap3A_208], %swap3A_211 {strides = array<i32>} : memref<40x128xf32, #tpu.memory_space<vmem>>, vector<1x16xf32>,
        %get3A_212 = arith.index_cast %add3A_115 : i32 to index
        %get3A_213 = arith.constant 112 : index
        %get3A_214 = tpu.vector_load %arg9[%get3A_212, %get3A_213] {strides = array<i32>} : memref<40x128xf32, #tpu.memory_space<vmem>>, vector<1x16xf32>,
        %get3A_215 = vector.shape_cast %get3A_214 : vector<1x16xf32> to vector<16xf32>
        %get3A_216 = arith.index_cast %add3A_115 : i32 to index
        %get3A_217 = arith.constant 112 : index
        %get3A_218 = tpu.vector_load %arg10[%get3A_216, %get3A_217] {strides = array<i32>} : memref<40x128xf32, #tpu.memory_space<vmem>>, vector<1x16xf32>,
        %get3A_219 = vector.shape_cast %get3A_218 : vector<1x16xf32> to vector<16xf32>
        %add3A_220 = arith.addf %get3A_215, %get3A_219 : vector<16xf32>
        %swap3A_221 = arith.index_cast %add3A_115 : i32 to index
        %swap3A_222 = arith.constant 112 : index
        %swap3A_223 = tpu.vector_load %arg9[%swap3A_221, %swap3A_222] {strides = array<i32>} : memref<40x128xf32, #tpu.memory_space<vmem>>, vector<1x16xf32>,
        %swap3A_224 = vector.shape_cast %swap3A_223 : vector<1x16xf32> to vector<16xf32>
        %swap3A_225 = vector.shape_cast %add3A_220 : vector<16xf32> to vector<1x16xf32>
        tpu.vector_store %arg9[%swap3A_221, %swap3A_222], %swap3A_225 {strides = array<i32>} : memref<40x128xf32, #tpu.memory_space<vmem>>, vector<1x16xf32>,
      }
      %scan3A_62 = arith.constant 40 : i32
      %mul3A_63 = arith.constant 40 : i32
      %mul3A_64 = arith.muli %add3A_29, %mul3A_63 : i32
      %add3A_65 = arith.addi %mul3A_2, %mul3A_64 : i32
      %dma_start3A_66 = arith.constant 0 : i32
      %dma_start3A_67 = tpu.memref_slice %arg6[%add3A_65, %dma_start3A_66] : memref<320000x128xf32, #tpu.memory_space<hbm>> -> memref<40x128xf32, #tpu.memory_space<hbm>>
      %dma_start3A_68 = arith.constant 0 : i32
      %dma_start3A_69 = tpu.memref_slice %arg6[%add3A_65, %dma_start3A_68] : memref<320000x128xf32, #tpu.memory_space<hbm>> -> memref<40x128xf32, #tpu.memory_space<hbm>>
      tpu.enqueue_dma source(%arg9 : memref<40x128xf32, #tpu.memory_space<vmem>>) target(%dma_start3A_69 : memref<40x128xf32, #tpu.memory_space<hbm>>) target_semaphore(%arg17 : memref<!tpu.dma_semaphore, #tpu.memory_space<semaphore_mem>>)
      %add3A_70 = arith.constant 1 : i32
      %add3A_71 = arith.addi %add3A_29, %add3A_70 : i32
      %dma_wait3A_72 = arith.constant 0 : i32
      %dma_wait3A_73 = tpu.memref_slice %arg7[%add3A_71, %dma_wait3A_72] : memref<250x40xi32, #tpu.memory_space<vmem>> -> memref<1x40xi32, #tpu.memory_space<vmem>>
      %dma_wait3A_74 = tpu.memref_squeeze %dma_wait3A_73 : memref<1x40xi32, #tpu.memory_space<vmem>> -> memref<40xi32, #tpu.memory_space<vmem>>
      %dma_wait3A_75 = arith.constant 0 : i32
      %dma_wait3A_76 = arith.constant 0 : i32
      %dma_wait3A_77 = tpu.memref_slice %arg2[%dma_wait3A_75, %dma_wait3A_76] : memref<10000x128xf32, #tpu.memory_space<hbm>> -> memref<10000x128xf32, #tpu.memory_space<hbm>>
      tpu.wait_indirect_dma semaphore(%arg15 : memref<!tpu.dma_semaphore, #tpu.memory_space<semaphore_mem>>) src(%dma_wait3A_77 : memref<10000x128xf32, #tpu.memory_space<hbm>>) dst(%arg11 : memref<40x128xf32, #tpu.memory_space<vmem>>)
      %dma_wait3A_78 = arith.constant 0 : i32
      %dma_wait3A_79 = tpu.memref_slice %arg8[%add3A_71, %dma_wait3A_78] : memref<250x40xi32, #tpu.memory_space<vmem>> -> memref<1x40xi32, #tpu.memory_space<vmem>>
      %dma_wait3A_80 = tpu.memref_squeeze %dma_wait3A_79 : memref<1x40xi32, #tpu.memory_space<vmem>> -> memref<40xi32, #tpu.memory_space<vmem>>
      %dma_wait3A_81 = arith.constant 0 : i32
      %dma_wait3A_82 = arith.constant 0 : i32
      %dma_wait3A_83 = tpu.memref_slice %arg3[%dma_wait3A_81, %dma_wait3A_82] : memref<10000x128xf32, #tpu.memory_space<hbm>> -> memref<10000x128xf32, #tpu.memory_space<hbm>>
      tpu.wait_indirect_dma semaphore(%arg16 : memref<!tpu.dma_semaphore, #tpu.memory_space<semaphore_mem>>) src(%dma_wait3A_83 : memref<10000x128xf32, #tpu.memory_space<hbm>>) dst(%arg12 : memref<40x128xf32, #tpu.memory_space<vmem>>)
      %mul3A_84 = arith.constant 40 : i32
      %mul3A_85 = arith.muli %add3A_29, %mul3A_84 : i32
      %add3A_86 = arith.addi %mul3A_2, %mul3A_85 : i32
      %dma_wait3A_87 = arith.constant 0 : i32
      %dma_wait3A_88 = tpu.memref_slice %arg6[%add3A_86, %dma_wait3A_87] : memref<320000x128xf32, #tpu.memory_space<hbm>> -> memref<40x128xf32, #tpu.memory_space<hbm>>
      %dma_wait3A_89 = arith.constant 0 : i32
      %dma_wait3A_90 = tpu.memref_slice %arg6[%add3A_86, %dma_wait3A_89] : memref<320000x128xf32, #tpu.memory_space<hbm>> -> memref<40x128xf32, #tpu.memory_space<hbm>>
      tpu.wait_dma2 semaphore(%arg17 : memref<!tpu.dma_semaphore, #tpu.memory_space<semaphore_mem>>) src(%arg9 : memref<40x128xf32, #tpu.memory_space<vmem>>) dst(%dma_wait3A_90 : memref<40x128xf32, #tpu.memory_space<hbm>>)
      %add3A_91 = arith.constant 2 : i32
      %add3A_92 = arith.addi %add3A_29, %add3A_91 : i32
      %lt3A = arith.constant 250 : i32
      %lt3A_93 = arith.cmpi slt, %add3A_92, %lt3A : i32
      %convert_element_type3A_94 = arith.extui %lt3A_93 : i1 to i32
      %cond3A_95 = arith.constant 0 : i32
      %cond3A_96 = arith.cmpi ne, %convert_element_type3A_94, %cond3A_95 : i32
      scf.if %cond3A_96 {
        %add3A_111 = arith.constant 2 : i32
        %add3A_112 = arith.addi %add3A_29, %add3A_111 : i32
        %dma_start3A_113 = arith.constant 0 : i32
        %dma_start3A_114 = tpu.memref_slice %arg7[%add3A_112, %dma_start3A_113] : memref<250x40xi32, #tpu.memory_space<vmem>> -> memref<1x40xi32, #tpu.memory_space<vmem>>
        %dma_start3A_115 = tpu.memref_squeeze %dma_start3A_114 : memref<1x40xi32, #tpu.memory_space<vmem>> -> memref<40xi32, #tpu.memory_space<vmem>>
        %dma_start3A_116 = arith.constant 0 : i32
        %dma_start3A_117 = arith.constant 0 : i32
        %dma_start3A_118 = tpu.memref_slice %arg2[%dma_start3A_116, %dma_start3A_117] : memref<10000x128xf32, #tpu.memory_space<hbm>> -> memref<10000x128xf32, #tpu.memory_space<hbm>>
        tpu.enqueue_indirect_dma source(%dma_start3A_118 : memref<10000x128xf32, #tpu.memory_space<hbm>>) target(%arg9 : memref<40x128xf32, #tpu.memory_space<vmem>>) offsets(%dma_start3A_115 : memref<40xi32, #tpu.memory_space<vmem>>) semaphore(%arg13 : memref<!tpu.dma_semaphore, #tpu.memory_space<semaphore_mem>>)
        %dma_start3A_119 = arith.constant 0 : i32
        %dma_start3A_120 = tpu.memref_slice %arg8[%add3A_112, %dma_start3A_119] : memref<250x40xi32, #tpu.memory_space<vmem>> -> memref<1x40xi32, #tpu.memory_space<vmem>>
        %dma_start3A_121 = tpu.memref_squeeze %dma_start3A_120 : memref<1x40xi32, #tpu.memory_space<vmem>> -> memref<40xi32, #tpu.memory_space<vmem>>
        %dma_start3A_122 = arith.constant 0 : i32
        %dma_start3A_123 = arith.constant 0 : i32
        %dma_start3A_124 = tpu.memref_slice %arg3[%dma_start3A_122, %dma_start3A_123] : memref<10000x128xf32, #tpu.memory_space<hbm>> -> memref<10000x128xf32, #tpu.memory_space<hbm>>
        tpu.enqueue_indirect_dma source(%dma_start3A_124 : memref<10000x128xf32, #tpu.memory_space<hbm>>) target(%arg10 : memref<40x128xf32, #tpu.memory_space<vmem>>) offsets(%dma_start3A_121 : memref<40xi32, #tpu.memory_space<vmem>>) semaphore(%arg14 : memref<!tpu.dma_semaphore, #tpu.memory_space<semaphore_mem>>)
      } else {
      }
      %scan3A_97 = arith.constant 0 : i32
      %scan3A_98 = arith.constant 40 : i32
      %scan3A_99 = arith.addi %scan3A_97, %scan3A_98 : i32
      %scan3A_100 = arith.constant 1 : i32
      scf.for %scan3A_111 = %scan3A_97 to %scan3A_99 step %scan3A_100  : i32 {
        %mul3A_112 = arith.constant 1 : i32
        %mul3A_113 = arith.muli %scan3A_111, %mul3A_112 : i32
        %add3A_114 = arith.constant 0 : i32
        %add3A_115 = arith.addi %add3A_114, %mul3A_113 : i32
        %get3A = arith.index_cast %add3A_115 : i32 to index
        %get3A_116 = arith.constant 0 : index
        %get3A_117 = tpu.vector_load %arg11[%get3A, %get3A_116] {strides = array<i32>} : memref<40x128xf32, #tpu.memory_space<vmem>>, vector<1x16xf32>,
        %get3A_118 = vector.shape_cast %get3A_117 : vector<1x16xf32> to vector<16xf32>
        %get3A_119 = arith.index_cast %add3A_115 : i32 to index
        %get3A_120 = arith.constant 0 : index
        %get3A_121 = tpu.vector_load %arg12[%get3A_119, %get3A_120] {strides = array<i32>} : memref<40x128xf32, #tpu.memory_space<vmem>>, vector<1x16xf32>,
        %get3A_122 = vector.shape_cast %get3A_121 : vector<1x16xf32> to vector<16xf32>
        %add3A_123 = arith.addf %get3A_118, %get3A_122 : vector<16xf32>
        %swap3A = arith.index_cast %add3A_115 : i32 to index
        %swap3A_124 = arith.constant 0 : index
        %swap3A_125 = tpu.vector_load %arg11[%swap3A, %swap3A_124] {strides = array<i32>} : memref<40x128xf32, #tpu.memory_space<vmem>>, vector<1x16xf32>,
        %swap3A_126 = vector.shape_cast %swap3A_125 : vector<1x16xf32> to vector<16xf32>
        %swap3A_127 = vector.shape_cast %add3A_123 : vector<16xf32> to vector<1x16xf32>
        tpu.vector_store %arg11[%swap3A, %swap3A_124], %swap3A_127 {strides = array<i32>} : memref<40x128xf32, #tpu.memory_space<vmem>>, vector<1x16xf32>,
        %get3A_128 = arith.index_cast %add3A_115 : i32 to index
        %get3A_129 = arith.constant 16 : index
        %get3A_130 = tpu.vector_load %arg11[%get3A_128, %get3A_129] {strides = array<i32>} : memref<40x128xf32, #tpu.memory_space<vmem>>, vector<1x16xf32>,
        %get3A_131 = vector.shape_cast %get3A_130 : vector<1x16xf32> to vector<16xf32>
        %get3A_132 = arith.index_cast %add3A_115 : i32 to index
        %get3A_133 = arith.constant 16 : index
        %get3A_134 = tpu.vector_load %arg12[%get3A_132, %get3A_133] {strides = array<i32>} : memref<40x128xf32, #tpu.memory_space<vmem>>, vector<1x16xf32>,
        %get3A_135 = vector.shape_cast %get3A_134 : vector<1x16xf32> to vector<16xf32>
        %add3A_136 = arith.addf %get3A_131, %get3A_135 : vector<16xf32>
        %swap3A_137 = arith.index_cast %add3A_115 : i32 to index
        %swap3A_138 = arith.constant 16 : index
        %swap3A_139 = tpu.vector_load %arg11[%swap3A_137, %swap3A_138] {strides = array<i32>} : memref<40x128xf32, #tpu.memory_space<vmem>>, vector<1x16xf32>,
        %swap3A_140 = vector.shape_cast %swap3A_139 : vector<1x16xf32> to vector<16xf32>
        %swap3A_141 = vector.shape_cast %add3A_136 : vector<16xf32> to vector<1x16xf32>
        tpu.vector_store %arg11[%swap3A_137, %swap3A_138], %swap3A_141 {strides = array<i32>} : memref<40x128xf32, #tpu.memory_space<vmem>>, vector<1x16xf32>,
        %get3A_142 = arith.index_cast %add3A_115 : i32 to index
        %get3A_143 = arith.constant 32 : index
        %get3A_144 = tpu.vector_load %arg11[%get3A_142, %get3A_143] {strides = array<i32>} : memref<40x128xf32, #tpu.memory_space<vmem>>, vector<1x16xf32>,
        %get3A_145 = vector.shape_cast %get3A_144 : vector<1x16xf32> to vector<16xf32>
        %get3A_146 = arith.index_cast %add3A_115 : i32 to index
        %get3A_147 = arith.constant 32 : index
        %get3A_148 = tpu.vector_load %arg12[%get3A_146, %get3A_147] {strides = array<i32>} : memref<40x128xf32, #tpu.memory_space<vmem>>, vector<1x16xf32>,
        %get3A_149 = vector.shape_cast %get3A_148 : vector<1x16xf32> to vector<16xf32>
        %add3A_150 = arith.addf %get3A_145, %get3A_149 : vector<16xf32>
        %swap3A_151 = arith.index_cast %add3A_115 : i32 to index
        %swap3A_152 = arith.constant 32 : index
        %swap3A_153 = tpu.vector_load %arg11[%swap3A_151, %swap3A_152] {strides = array<i32>} : memref<40x128xf32, #tpu.memory_space<vmem>>, vector<1x16xf32>,
        %swap3A_154 = vector.shape_cast %swap3A_153 : vector<1x16xf32> to vector<16xf32>
        %swap3A_155 = vector.shape_cast %add3A_150 : vector<16xf32> to vector<1x16xf32>
        tpu.vector_store %arg11[%swap3A_151, %swap3A_152], %swap3A_155 {strides = array<i32>} : memref<40x128xf32, #tpu.memory_space<vmem>>, vector<1x16xf32>,
        %get3A_156 = arith.index_cast %add3A_115 : i32 to index
        %get3A_157 = arith.constant 48 : index
        %get3A_158 = tpu.vector_load %arg11[%get3A_156, %get3A_157] {strides = array<i32>} : memref<40x128xf32, #tpu.memory_space<vmem>>, vector<1x16xf32>,
        %get3A_159 = vector.shape_cast %get3A_158 : vector<1x16xf32> to vector<16xf32>
        %get3A_160 = arith.index_cast %add3A_115 : i32 to index
        %get3A_161 = arith.constant 48 : index
        %get3A_162 = tpu.vector_load %arg12[%get3A_160, %get3A_161] {strides = array<i32>} : memref<40x128xf32, #tpu.memory_space<vmem>>, vector<1x16xf32>,
        %get3A_163 = vector.shape_cast %get3A_162 : vector<1x16xf32> to vector<16xf32>
        %add3A_164 = arith.addf %get3A_159, %get3A_163 : vector<16xf32>
        %swap3A_165 = arith.index_cast %add3A_115 : i32 to index
        %swap3A_166 = arith.constant 48 : index
        %swap3A_167 = tpu.vector_load %arg11[%swap3A_165, %swap3A_166] {strides = array<i32>} : memref<40x128xf32, #tpu.memory_space<vmem>>, vector<1x16xf32>,
        %swap3A_168 = vector.shape_cast %swap3A_167 : vector<1x16xf32> to vector<16xf32>
        %swap3A_169 = vector.shape_cast %add3A_164 : vector<16xf32> to vector<1x16xf32>
        tpu.vector_store %arg11[%swap3A_165, %swap3A_166], %swap3A_169 {strides = array<i32>} : memref<40x128xf32, #tpu.memory_space<vmem>>, vector<1x16xf32>,
        %get3A_170 = arith.index_cast %add3A_115 : i32 to index
        %get3A_171 = arith.constant 64 : index
        %get3A_172 = tpu.vector_load %arg11[%get3A_170, %get3A_171] {strides = array<i32>} : memref<40x128xf32, #tpu.memory_space<vmem>>, vector<1x16xf32>,
        %get3A_173 = vector.shape_cast %get3A_172 : vector<1x16xf32> to vector<16xf32>
        %get3A_174 = arith.index_cast %add3A_115 : i32 to index
        %get3A_175 = arith.constant 64 : index
        %get3A_176 = tpu.vector_load %arg12[%get3A_174, %get3A_175] {strides = array<i32>} : memref<40x128xf32, #tpu.memory_space<vmem>>, vector<1x16xf32>,
        %get3A_177 = vector.shape_cast %get3A_176 : vector<1x16xf32> to vector<16xf32>
        %add3A_178 = arith.addf %get3A_173, %get3A_177 : vector<16xf32>
        %swap3A_179 = arith.index_cast %add3A_115 : i32 to index
        %swap3A_180 = arith.constant 64 : index
        %swap3A_181 = tpu.vector_load %arg11[%swap3A_179, %swap3A_180] {strides = array<i32>} : memref<40x128xf32, #tpu.memory_space<vmem>>, vector<1x16xf32>,
        %swap3A_182 = vector.shape_cast %swap3A_181 : vector<1x16xf32> to vector<16xf32>
        %swap3A_183 = vector.shape_cast %add3A_178 : vector<16xf32> to vector<1x16xf32>
        tpu.vector_store %arg11[%swap3A_179, %swap3A_180], %swap3A_183 {strides = array<i32>} : memref<40x128xf32, #tpu.memory_space<vmem>>, vector<1x16xf32>,
        %get3A_184 = arith.index_cast %add3A_115 : i32 to index
        %get3A_185 = arith.constant 80 : index
        %get3A_186 = tpu.vector_load %arg11[%get3A_184, %get3A_185] {strides = array<i32>} : memref<40x128xf32, #tpu.memory_space<vmem>>, vector<1x16xf32>,
        %get3A_187 = vector.shape_cast %get3A_186 : vector<1x16xf32> to vector<16xf32>
        %get3A_188 = arith.index_cast %add3A_115 : i32 to index
        %get3A_189 = arith.constant 80 : index
        %get3A_190 = tpu.vector_load %arg12[%get3A_188, %get3A_189] {strides = array<i32>} : memref<40x128xf32, #tpu.memory_space<vmem>>, vector<1x16xf32>,
        %get3A_191 = vector.shape_cast %get3A_190 : vector<1x16xf32> to vector<16xf32>
        %add3A_192 = arith.addf %get3A_187, %get3A_191 : vector<16xf32>
        %swap3A_193 = arith.index_cast %add3A_115 : i32 to index
        %swap3A_194 = arith.constant 80 : index
        %swap3A_195 = tpu.vector_load %arg11[%swap3A_193, %swap3A_194] {strides = array<i32>} : memref<40x128xf32, #tpu.memory_space<vmem>>, vector<1x16xf32>,
        %swap3A_196 = vector.shape_cast %swap3A_195 : vector<1x16xf32> to vector<16xf32>
        %swap3A_197 = vector.shape_cast %add3A_192 : vector<16xf32> to vector<1x16xf32>
        tpu.vector_store %arg11[%swap3A_193, %swap3A_194], %swap3A_197 {strides = array<i32>} : memref<40x128xf32, #tpu.memory_space<vmem>>, vector<1x16xf32>,
        %get3A_198 = arith.index_cast %add3A_115 : i32 to index
        %get3A_199 = arith.constant 96 : index
        %get3A_200 = tpu.vector_load %arg11[%get3A_198, %get3A_199] {strides = array<i32>} : memref<40x128xf32, #tpu.memory_space<vmem>>, vector<1x16xf32>,
        %get3A_201 = vector.shape_cast %get3A_200 : vector<1x16xf32> to vector<16xf32>
        %get3A_202 = arith.index_cast %add3A_115 : i32 to index
        %get3A_203 = arith.constant 96 : index
        %get3A_204 = tpu.vector_load %arg12[%get3A_202, %get3A_203] {strides = array<i32>} : memref<40x128xf32, #tpu.memory_space<vmem>>, vector<1x16xf32>,
        %get3A_205 = vector.shape_cast %get3A_204 : vector<1x16xf32> to vector<16xf32>
        %add3A_206 = arith.addf %get3A_201, %get3A_205 : vector<16xf32>
        %swap3A_207 = arith.index_cast %add3A_115 : i32 to index
        %swap3A_208 = arith.constant 96 : index
        %swap3A_209 = tpu.vector_load %arg11[%swap3A_207, %swap3A_208] {strides = array<i32>} : memref<40x128xf32, #tpu.memory_space<vmem>>, vector<1x16xf32>,
        %swap3A_210 = vector.shape_cast %swap3A_209 : vector<1x16xf32> to vector<16xf32>
        %swap3A_211 = vector.shape_cast %add3A_206 : vector<16xf32> to vector<1x16xf32>
        tpu.vector_store %arg11[%swap3A_207, %swap3A_208], %swap3A_211 {strides = array<i32>} : memref<40x128xf32, #tpu.memory_space<vmem>>, vector<1x16xf32>,
        %get3A_212 = arith.index_cast %add3A_115 : i32 to index
        %get3A_213 = arith.constant 112 : index
        %get3A_214 = tpu.vector_load %arg11[%get3A_212, %get3A_213] {strides = array<i32>} : memref<40x128xf32, #tpu.memory_space<vmem>>, vector<1x16xf32>,
        %get3A_215 = vector.shape_cast %get3A_214 : vector<1x16xf32> to vector<16xf32>
        %get3A_216 = arith.index_cast %add3A_115 : i32 to index
        %get3A_217 = arith.constant 112 : index
        %get3A_218 = tpu.vector_load %arg12[%get3A_216, %get3A_217] {strides = array<i32>} : memref<40x128xf32, #tpu.memory_space<vmem>>, vector<1x16xf32>,
        %get3A_219 = vector.shape_cast %get3A_218 : vector<1x16xf32> to vector<16xf32>
        %add3A_220 = arith.addf %get3A_215, %get3A_219 : vector<16xf32>
        %swap3A_221 = arith.index_cast %add3A_115 : i32 to index
        %swap3A_222 = arith.constant 112 : index
        %swap3A_223 = tpu.vector_load %arg11[%swap3A_221, %swap3A_222] {strides = array<i32>} : memref<40x128xf32, #tpu.memory_space<vmem>>, vector<1x16xf32>,
        %swap3A_224 = vector.shape_cast %swap3A_223 : vector<1x16xf32> to vector<16xf32>
        %swap3A_225 = vector.shape_cast %add3A_220 : vector<16xf32> to vector<1x16xf32>
        tpu.vector_store %arg11[%swap3A_221, %swap3A_222], %swap3A_225 {strides = array<i32>} : memref<40x128xf32, #tpu.memory_space<vmem>>, vector<1x16xf32>,
      }
      %scan3A_101 = arith.constant 40 : i32
      %add3A_102 = arith.constant 1 : i32
      %add3A_103 = arith.addi %add3A_29, %add3A_102 : i32
      %mul3A_104 = arith.constant 40 : i32
      %mul3A_105 = arith.muli %add3A_103, %mul3A_104 : i32
      %add3A_106 = arith.addi %mul3A_2, %mul3A_105 : i32
      %dma_start3A_107 = arith.constant 0 : i32
      %dma_start3A_108 = tpu.memref_slice %arg6[%add3A_106, %dma_start3A_107] : memref<320000x128xf32, #tpu.memory_space<hbm>> -> memref<40x128xf32, #tpu.memory_space<hbm>>
      %dma_start3A_109 = arith.constant 0 : i32
      %dma_start3A_110 = tpu.memref_slice %arg6[%add3A_106, %dma_start3A_109] : memref<320000x128xf32, #tpu.memory_space<hbm>> -> memref<40x128xf32, #tpu.memory_space<hbm>>
      tpu.enqueue_dma source(%arg11 : memref<40x128xf32, #tpu.memory_space<vmem>>) target(%dma_start3A_110 : memref<40x128xf32, #tpu.memory_space<hbm>>) target_semaphore(%arg18 : memref<!tpu.dma_semaphore, #tpu.memory_space<semaphore_mem>>)
    }
    %scan3A_19 = arith.constant 125 : i32
    %add3A_20 = arith.constant 9960 : i32
    %add3A_21 = arith.addi %mul3A_2, %add3A_20 : i32
    %dma_wait3A = arith.constant 0 : i32
    %dma_wait3A_22 = tpu.memref_slice %arg6[%add3A_21, %dma_wait3A] : memref<320000x128xf32, #tpu.memory_space<hbm>> -> memref<40x128xf32, #tpu.memory_space<hbm>>
    %dma_wait3A_23 = arith.constant 0 : i32
    %dma_wait3A_24 = tpu.memref_slice %arg6[%add3A_21, %dma_wait3A_23] : memref<320000x128xf32, #tpu.memory_space<hbm>> -> memref<40x128xf32, #tpu.memory_space<hbm>>
    tpu.wait_dma2 semaphore(%arg18 : memref<!tpu.dma_semaphore, #tpu.memory_space<semaphore_mem>>) src(%arg11 : memref<40x128xf32, #tpu.memory_space<vmem>>) dst(%dma_wait3A_24 : memref<40x128xf32, #tpu.memory_space<hbm>>)
    return
  }
}

module attributes {stable_mosaic.version = 14 : i64} {
  func.func @_proj_body(%arg0: memref<10000x128xf32, #tpu.memory_space<vmem>>, %arg1: memref<272x128xf32, #tpu.memory_space<vmem>>, %arg2: memref<1x128xf32, #tpu.memory_space<vmem>>, %arg3: memref<10000x128xf32, #tpu.memory_space<vmem>>, %arg4: memref<10000x128xf32, #tpu.memory_space<vmem>>) attributes {dimension_semantics = [], scalar_prefetch = 0 : i64, scratch_operands = 0 : i64, tpu.core_type = #tpu.core_type<tc>} {
    %get3A = arith.constant 0 : index
    %get3A_0 = arith.constant 0 : index
    %get3A_1 = vector.load %arg0[%get3A, %get3A_0] : memref<10000x128xf32, #tpu.memory_space<vmem>>, vector<10000x128xf32>
    %get3A_2 = arith.constant 0 : index
    %get3A_3 = arith.constant 0 : index
    %get3A_4 = vector.load %arg1[%get3A_2, %get3A_3] : memref<272x128xf32, #tpu.memory_space<vmem>>, vector<128x128xf32>
    %dot_general3A = arith.constant dense<0.000000e+00> : vector<10000x128xf32>
    %dot_general3A_5 = tpu.matmul %get3A_1, %get3A_4, %dot_general3A {dimension_numbers = #tpu.dot_dimension_numbers<[1], [0], [0], [1], [0, 0, 1, 1], [], []>, transpose_lhs_hint = false} : vector<10000x128xf32>, vector<128x128xf32>, vector<10000x128xf32> -> vector<10000x128xf32>
    %swap3A = arith.constant 0 : index
    %swap3A_6 = arith.constant 0 : index
    %swap3A_7 = vector.load %arg3[%swap3A, %swap3A_6] : memref<10000x128xf32, #tpu.memory_space<vmem>>, vector<10000x128xf32>
    tpu.vector_store %arg3[%swap3A, %swap3A_6], %dot_general3A_5 {strides = array<i32>} : memref<10000x128xf32, #tpu.memory_space<vmem>>, vector<10000x128xf32>,
    %get3A_8 = arith.constant 128 : index
    %get3A_9 = arith.constant 0 : index
    %get3A_10 = vector.load %arg1[%get3A_8, %get3A_9] : memref<272x128xf32, #tpu.memory_space<vmem>>, vector<128x128xf32>
    %dot_general3A_11 = arith.constant dense<0.000000e+00> : vector<10000x128xf32>
    %dot_general3A_12 = tpu.matmul %get3A_1, %get3A_10, %dot_general3A_11 {dimension_numbers = #tpu.dot_dimension_numbers<[1], [0], [0], [1], [0, 0, 1, 1], [], []>, transpose_lhs_hint = false} : vector<10000x128xf32>, vector<128x128xf32>, vector<10000x128xf32> -> vector<10000x128xf32>
    %get3A_13 = arith.constant 0 : index
    %get3A_14 = arith.constant 0 : index
    %get3A_15 = vector.load %arg2[%get3A_13, %get3A_14] : memref<1x128xf32, #tpu.memory_space<vmem>>, vector<1x128xf32>
    %add3A = vector.broadcast %get3A_15 : vector<1x128xf32> to vector<10000x128xf32>
    %add3A_16 = arith.addf %dot_general3A_12, %add3A : vector<10000x128xf32>
    %swap3A_17 = arith.constant 0 : index
    %swap3A_18 = arith.constant 0 : index
    %swap3A_19 = vector.load %arg4[%swap3A_17, %swap3A_18] : memref<10000x128xf32, #tpu.memory_space<vmem>>, vector<10000x128xf32>
    tpu.vector_store %arg4[%swap3A_17, %swap3A_18], %add3A_16 {strides = array<i32>} : memref<10000x128xf32, #tpu.memory_space<vmem>>, vector<10000x128xf32>,
    return
  }
}

module attributes {stable_mosaic.version = 14 : i64} {
  func.func @_msg_body(%arg0: i32, %arg1: memref<2000x128xf32, #tpu.memory_space<vmem>>, %arg2: memref<2000x16xf32, #tpu.memory_space<vmem>>, %arg3: memref<16x128xf32, #tpu.memory_space<vmem>>, %arg4: memref<2000x128xf32, #tpu.memory_space<vmem>>) attributes {dimension_semantics = [#tpu.dimension_semantics<arbitrary>], iteration_bounds = array<i64: 160>, scalar_prefetch = 0 : i64, scratch_operands = 0 : i64, tpu.core_type = #tpu.core_type<tc>, window_params = [{transform_indices = @transform_0, window_bounds = array<i64: 2000, 128>}, {transform_indices = @transform_1, window_bounds = array<i64: 2000, 16>}, {pipeline_mode = #tpu.pipeline_mode<synchronous>, transform_indices = @transform_2, window_bounds = array<i64: 16, 128>}, {transform_indices = @transform_3, window_bounds = array<i64: 2000, 128>}]} {
    %get3A = arith.constant 0 : index
    %get3A_0 = arith.constant 0 : index
    %get3A_1 = vector.load %arg1[%get3A, %get3A_0] : memref<2000x128xf32, #tpu.memory_space<vmem>>, vector<2000x128xf32>
    %get3A_2 = arith.constant 0 : index
    %get3A_3 = arith.constant 0 : index
    %get3A_4 = vector.load %arg2[%get3A_2, %get3A_3] : memref<2000x16xf32, #tpu.memory_space<vmem>>, vector<2000x16xf32>
    %get3A_5 = arith.constant 0 : index
    %get3A_6 = arith.constant 0 : index
    %get3A_7 = vector.load %arg3[%get3A_5, %get3A_6] : memref<16x128xf32, #tpu.memory_space<vmem>>, vector<16x128xf32>
    %dot_general3A = arith.constant dense<0.000000e+00> : vector<2000x128xf32>
    %dot_general3A_8 = tpu.matmul %get3A_4, %get3A_7, %dot_general3A {dimension_numbers = #tpu.dot_dimension_numbers<[1], [0], [0], [1], [0, 0, 1, 1], [], []>, transpose_lhs_hint = false} : vector<2000x16xf32>, vector<16x128xf32>, vector<2000x128xf32> -> vector<2000x128xf32>
    %add3A = arith.addf %get3A_1, %dot_general3A_8 : vector<2000x128xf32>
    %integer_pow3A = arith.mulf %add3A, %add3A : vector<2000x128xf32>
    %integer_pow3A_9 = arith.mulf %add3A, %integer_pow3A : vector<2000x128xf32>
    %mul3A = arith.constant 4.471500e-02 : f32
    %mul3A_10 = vector.broadcast %mul3A : f32 to vector<2000x128xf32>
    %mul3A_11 = arith.mulf %mul3A_10, %integer_pow3A_9 : vector<2000x128xf32>
    %add3A_12 = arith.addf %add3A, %mul3A_11 : vector<2000x128xf32>
    %mul3A_13 = arith.constant 0.797884583 : f32
    %mul3A_14 = vector.broadcast %mul3A_13 : f32 to vector<2000x128xf32>
    %mul3A_15 = arith.mulf %mul3A_14, %add3A_12 : vector<2000x128xf32>
    %tanh3A = math.tanh %mul3A_15 : vector<2000x128xf32>
    %add3A_16 = arith.constant 1.000000e+00 : f32
    %add3A_17 = vector.broadcast %add3A_16 : f32 to vector<2000x128xf32>
    %add3A_18 = arith.addf %add3A_17, %tanh3A : vector<2000x128xf32>
    %mul3A_19 = arith.constant 5.000000e-01 : f32
    %mul3A_20 = vector.broadcast %mul3A_19 : f32 to vector<2000x128xf32>
    %mul3A_21 = arith.mulf %mul3A_20, %add3A_18 : vector<2000x128xf32>
    %mul3A_22 = arith.mulf %add3A, %mul3A_21 : vector<2000x128xf32>
    %swap3A = arith.constant 0 : index
    %swap3A_23 = arith.constant 0 : index
    %swap3A_24 = vector.load %arg4[%swap3A, %swap3A_23] : memref<2000x128xf32, #tpu.memory_space<vmem>>, vector<2000x128xf32>
    tpu.vector_store %arg4[%swap3A, %swap3A_23], %mul3A_22 {strides = array<i32>} : memref<2000x128xf32, #tpu.memory_space<vmem>>, vector<2000x128xf32>,
    return
  }
  func.func @transform_0(%arg0: i32) -> (i32, i32) {
    %c0_i32 = arith.constant 0 : i32
    %c0_i32_0 = arith.constant 0 : i32
    return %arg0, %c0_i32 : i32, i32
  }
  func.func @transform_1(%arg0: i32) -> (i32, i32) {
    %c0_i32 = arith.constant 0 : i32
    %c0_i32_0 = arith.constant 0 : i32
    return %arg0, %c0_i32 : i32, i32
  }
  func.func @transform_2(%arg0: i32) -> (i32, i32) {
    %c0_i32 = arith.constant 0 : i32
    %c0_i32_0 = arith.constant 0 : i32
    %c0_i32_1 = arith.constant 0 : i32
    return %c0_i32, %c0_i32_0 : i32, i32
  }
  func.func @transform_3(%arg0: i32) -> (i32, i32) {
    %c0_i32 = arith.constant 0 : i32
    %c0_i32_0 = arith.constant 0 : i32
    return %arg0, %c0_i32 : i32, i32
  }
}

module attributes {stable_mosaic.version = 14 : i64} {
  func.func @_final_body(%arg0: memref<10240x128xf32, #tpu.memory_space<vmem>>, %arg1: memref<2x10240x128xf32, #tpu.memory_space<vmem>>, %arg2: memref<2x10240x1xf32, #tpu.memory_space<vmem>>, %arg3: memref<128x128xf32, #tpu.memory_space<vmem>>, %arg4: memref<1x128xf32, #tpu.memory_space<vmem>>, %arg5: memref<1x128xf32, #tpu.memory_space<vmem>>, %arg6: memref<1x128xf32, #tpu.memory_space<vmem>>, %arg7: memref<10240x128xf32, #tpu.memory_space<vmem>>) attributes {dimension_semantics = [], scalar_prefetch = 0 : i64, scratch_operands = 0 : i64, tpu.core_type = #tpu.core_type<tc>} {
    %get3A = arith.constant 0 : index
    %get3A_0 = arith.constant 0 : index
    %get3A_1 = arith.constant 0 : index
    %get3A_2 = vector.load %arg1[%get3A, %get3A_0, %get3A_1] : memref<2x10240x128xf32, #tpu.memory_space<vmem>>, vector<1x10240x128xf32>
    %get3A_3 = vector.shape_cast %get3A_2 : vector<1x10240x128xf32> to vector<10240x128xf32>
    %get3A_4 = arith.constant 1 : index
    %get3A_5 = arith.constant 0 : index
    %get3A_6 = arith.constant 0 : index
    %get3A_7 = vector.load %arg1[%get3A_4, %get3A_5, %get3A_6] : memref<2x10240x128xf32, #tpu.memory_space<vmem>>, vector<1x10240x128xf32>
    %get3A_8 = vector.shape_cast %get3A_7 : vector<1x10240x128xf32> to vector<10240x128xf32>
    %add3A = arith.addf %get3A_3, %get3A_8 : vector<10240x128xf32>
    %get3A_9 = arith.constant 0 : index
    %get3A_10 = arith.constant 0 : index
    %get3A_11 = vector.load %arg3[%get3A_9, %get3A_10] : memref<128x128xf32, #tpu.memory_space<vmem>>, vector<128x128xf32>
    %dot_general3A = arith.constant dense<0.000000e+00> : vector<10240x128xf32>
    %dot_general3A_12 = tpu.matmul %add3A, %get3A_11, %dot_general3A {dimension_numbers = #tpu.dot_dimension_numbers<[1], [0], [0], [1], [0, 0, 1, 1], [], []>, transpose_lhs_hint = false} : vector<10240x128xf32>, vector<128x128xf32>, vector<10240x128xf32> -> vector<10240x128xf32>
    %get3A_13 = arith.constant 0 : index
    %get3A_14 = arith.constant 0 : index
    %get3A_15 = arith.constant 0 : index
    %get3A_16 = vector.load %arg2[%get3A_13, %get3A_14, %get3A_15] : memref<2x10240x1xf32, #tpu.memory_space<vmem>>, vector<1x10240x1xf32>
    %get3A_17 = vector.shape_cast %get3A_16 : vector<1x10240x1xf32> to vector<10240x1xf32>
    %get3A_18 = arith.constant 1 : index
    %get3A_19 = arith.constant 0 : index
    %get3A_20 = arith.constant 0 : index
    %get3A_21 = vector.load %arg2[%get3A_18, %get3A_19, %get3A_20] : memref<2x10240x1xf32, #tpu.memory_space<vmem>>, vector<1x10240x1xf32>
    %get3A_22 = vector.shape_cast %get3A_21 : vector<1x10240x1xf32> to vector<10240x1xf32>
    %add3A_23 = arith.addf %get3A_17, %get3A_22 : vector<10240x1xf32>
    %get3A_24 = arith.constant 0 : index
    %get3A_25 = arith.constant 0 : index
    %get3A_26 = vector.load %arg0[%get3A_24, %get3A_25] : memref<10240x128xf32, #tpu.memory_space<vmem>>, vector<10240x128xf32>
    %add3A_27 = arith.addf %get3A_26, %dot_general3A_12 : vector<10240x128xf32>
    %get3A_28 = arith.constant 0 : index
    %get3A_29 = arith.constant 0 : index
    %get3A_30 = vector.load %arg4[%get3A_28, %get3A_29] : memref<1x128xf32, #tpu.memory_space<vmem>>, vector<1x128xf32>
    %mul3A = vector.broadcast %add3A_23 : vector<10240x1xf32> to vector<10240x128xf32>
    %mul3A_31 = vector.broadcast %get3A_30 : vector<1x128xf32> to vector<10240x128xf32>
    %mul3A_32 = arith.mulf %mul3A, %mul3A_31 : vector<10240x128xf32>
    %add3A_33 = arith.addf %add3A_27, %mul3A_32 : vector<10240x128xf32>
    %reduce_sum3A = arith.constant dense<0.000000e+00> : vector<10240xf32>
    %reduce_sum3A_34 = vector.multi_reduction <add>, %add3A_33, %reduce_sum3A [1] : vector<10240x128xf32> to vector<10240xf32>
    %broadcast_in_dim3A = vector.shape_cast %reduce_sum3A_34 : vector<10240xf32> to vector<10240x1xf32>
    %div3A = arith.constant 1.280000e+02 : f32
    %div3A_35 = vector.broadcast %div3A : f32 to vector<10240x1xf32>
    %div3A_36 = arith.divf %broadcast_in_dim3A, %div3A_35 : vector<10240x1xf32>
    %sub3A = vector.broadcast %div3A_36 : vector<10240x1xf32> to vector<10240x128xf32>
    %sub3A_37 = arith.subf %add3A_33, %sub3A : vector<10240x128xf32>
    %integer_pow3A = arith.mulf %sub3A_37, %sub3A_37 : vector<10240x128xf32>
    %reduce_sum3A_38 = arith.constant dense<0.000000e+00> : vector<10240xf32>
    %reduce_sum3A_39 = vector.multi_reduction <add>, %integer_pow3A, %reduce_sum3A_38 [1] : vector<10240x128xf32> to vector<10240xf32>
    %broadcast_in_dim3A_40 = vector.shape_cast %reduce_sum3A_39 : vector<10240xf32> to vector<10240x1xf32>
    %div3A_41 = arith.constant 1.280000e+02 : f32
    %div3A_42 = vector.broadcast %div3A_41 : f32 to vector<10240x1xf32>
    %div3A_43 = arith.divf %broadcast_in_dim3A_40, %div3A_42 : vector<10240x1xf32>
    %sub3A_44 = vector.broadcast %div3A_36 : vector<10240x1xf32> to vector<10240x128xf32>
    %sub3A_45 = arith.subf %add3A_33, %sub3A_44 : vector<10240x128xf32>
    %add3A_46 = arith.constant 9.99999974E-6 : f32
    %add3A_47 = vector.broadcast %add3A_46 : f32 to vector<10240x1xf32>
    %add3A_48 = arith.addf %div3A_43, %add3A_47 : vector<10240x1xf32>
    %rsqrt3A = math.rsqrt %add3A_48 : vector<10240x1xf32>
    %mul3A_49 = vector.broadcast %rsqrt3A : vector<10240x1xf32> to vector<10240x128xf32>
    %mul3A_50 = arith.mulf %sub3A_45, %mul3A_49 : vector<10240x128xf32>
    %get3A_51 = arith.constant 0 : index
    %get3A_52 = arith.constant 0 : index
    %get3A_53 = vector.load %arg5[%get3A_51, %get3A_52] : memref<1x128xf32, #tpu.memory_space<vmem>>, vector<1x128xf32>
    %mul3A_54 = vector.broadcast %get3A_53 : vector<1x128xf32> to vector<10240x128xf32>
    %mul3A_55 = arith.mulf %mul3A_50, %mul3A_54 : vector<10240x128xf32>
    %get3A_56 = arith.constant 0 : index
    %get3A_57 = arith.constant 0 : index
    %get3A_58 = vector.load %arg6[%get3A_56, %get3A_57] : memref<1x128xf32, #tpu.memory_space<vmem>>, vector<1x128xf32>
    %add3A_59 = vector.broadcast %get3A_58 : vector<1x128xf32> to vector<10240x128xf32>
    %add3A_60 = arith.addf %mul3A_55, %add3A_59 : vector<10240x128xf32>
    %swap3A = arith.constant 0 : index
    %swap3A_61 = arith.constant 0 : index
    %swap3A_62 = vector.load %arg7[%swap3A, %swap3A_61] : memref<10240x128xf32, #tpu.memory_space<vmem>>, vector<10240x128xf32>
    tpu.vector_store %arg7[%swap3A, %swap3A_61], %add3A_60 {strides = array<i32>} : memref<10240x128xf32, #tpu.memory_space<vmem>>, vector<10240x128xf32>,
    return
  }
}

</mosaic_0001>

<sc_bundles>
// kernel: kernel.10.cloned.1.call-start
scs
__scs_entry_jumppad:
0x0: {  	(pc) =	sbr.rel $0x88, $3  }
0x1: {  	(tag) =	ssettag $0x0;
	lr =	simm.s32 $0x1  }
0x2: {  	[smem:$0x3F97] =	sst lr;
	_ =	strace $0xD0000000  }
0x3: {  	_ = 	snop  }
0x4: {  	_ = 	snop  }
0x5: {  	_ = 	snop  }
0x6: {  	_ = 	snop  }
0x7: {  	_ = 	snop  }
__scs_overlays_trampoline_lowered:
0x8: {  	[smem:$0x3FA6] =	sst s0  }
0x9: {  	[smem:$0x3FA7] =	sst s1  }
0xa: {  	[smem:$0x3FA8] =	sst s2  }
0xb: {  	[smem:$0x3FA9] =	sst s3  }
0xc: {  	[smem:$0x3FAA] =	sst s4  }
0xd: {  	[smem:$0x3FAB] =	sst s5  }
0xe: {  	[smem:$0x3FAC] =	sst s6  }
0xf: {  	[smem:$0x3FAD] =	sst s7  }
0x10: {  	[smem:$0x3FAE] =	sst s8  }
0x11: {  	[smem:$0x3FAF] =	sst s9;
	s0 =	simm.s32 @!p0 $0x0  }
0x12: {  	s1 =	sld [smem:$0x3F95];
	s0 =	simm.s32 @p0 $0x1  }
0x13: {  	[smem:$0x3FB0] =	sst s0;
	s0 =	simm.s32 @!p1 $0x0  }
0x14: {  	s2 =	sld [smem:$0x3F94];
	s0 =	simm.s32 @p1 $0x1  }
0x15: {  	[smem:$0x3FB1] =	sst s0;
	s0 =	simm.s32 @!p2 $0x0  }
0x16: {  	s3 =	sld [smem:$0x3FDB];
	s0 =	simm.s32 @p2 $0x1  }
0x17: {  	s4 =	simm.s32 $0x1BF5;
	[smem:$0x3FB3] =	sst s0  }
0x18: {  	s0 =	sld [smem:$0x3F96];
	_ =	swait.ge [sflag:s4], $0x0  }
0x19: {  	s7 =	sld [smem:$0x3F97]  }
0x1a: {  	s8 =	sadd.s32 $0xFFFFE003, lr  }
0x1b: {  	s9 =	sadd.s32 $0xFFFFFEF7, lr;
	s5 =	simm.s32 $0xFFFFFFFF;
	p2 =	slt.u32 s8, $0xFFFFF086  }
0x1c: {  	p1 =	slt.u32 s9, $0xF7A;
	s5 =	simm.s32 @!p2 $0x0  }
0x1d: {  	s5 =	simm.s32 @p1 $0x1;
	p0 =	seq.s32 s7, s2  }
0x1e: {  	s7 =	smul.u32 @!p0 $0xF7A, s2;
	p2 =	seq.s32 @!p0 s5, $0x0  }
0x1f: {  	s9 =	smul.u32 $0xF7A, s1;
	s8 =	simm.s32 @!p0 $0x1BF5;
	p2 =	por !p2, p0  }
0x20: {  	[sflag:s8] =	ssyncset.s32 @!p0 $0xFFFFF086;
	s6 =	sadd.s32 @!p0 s3, s7;
	s7 =	simm.s32 @!p0 $0x108  }
0x21: {  	s3 =	sadd.s32 s3, s9;
	s6 =	sadd.s32 @!p0 $0x88, s6;
	s7 =	simm.s32 @p2 $0x1082  }
0x22: {  	[simem:s7], [sflag:s8] =	dma.local @!p0 [hbm:s6], $0xF7A  }
0x23: {  	s9 =	sor.u32 $0xD0000000, s2;
	s6 =	simm.s32 $0x108;
	_ =	swait.ge @!p0 [sflag:s8], $0x0  }
0x24: {  	s3 =	sadd.s32 $0x88, s3;
	s6 =	simm.s32 @!p1 $0x1082;
	[sflag:s4] =	ssyncset.s32 $0xFFFFF086  }
0x25: {  	[simem:s6], [sflag:s4] =	dma.local [hbm:s3], $0xF7A  }
0x26: {  	[smem:$0x3F97] =	sst s1;
	(tag) =	ssettag s2;
	_ =	strace s9  }
0x27: {  	s1 =	sld [smem:$0x3FA7]  }
0x28: {  	s2 =	sld [smem:$0x3FA8]  }
0x29: {  	s4 =	sld [smem:$0x3FAA]  }
0x2a: {  	p0 =	seq.s32 s5, $0x0;
	s5 =	sld [smem:$0x3FAB]  }
0x2b: {  	s6 =	sld [smem:$0x3FAC]  }
0x2c: {  	s7 =	sld [smem:$0x3FAD]  }
0x2d: {  	s3 =	simm.s32 $0x108;
	s8 =	sld [smem:$0x3FAE]  }
0x2e: {  	s3 =	simm.s32 @!p0 $0x1082;
	s9 =	sld [smem:$0x3FAF]  }
0x2f: {  	lr =	sadd.s32 s0, s3;
	s0 =	sld [smem:$0x3FA6]  }
0x30: {  	s3 =	sld [smem:$0x3FA9]  }
0x31: {  	[smem:$0x3FB2] =	sst s10  }
0x32: {  	s10 =	sld [smem:$0x3FB0];
	_ =	sdelay $0x3  }
0x33: {  	p0 =	seq.s32 s10, $0x1;
	s10 =	sld [smem:$0x3FB2];
	_ =	sdelay $0x3  }
0x34: {  	[smem:$0x3FB2] =	sst s10  }
0x35: {  	s10 =	sld [smem:$0x3FB1];
	_ =	sdelay $0x3  }
0x36: {  	p1 =	seq.s32 s10, $0x1;
	s10 =	sld [smem:$0x3FB2];
	_ =	sdelay $0x3  }
0x37: {  	[smem:$0x3FB2] =	sst s10  }
0x38: {  	s10 =	sld [smem:$0x3FB3]  }
0x39: {  	_ = 	snop;
	(pc) =	sbr.ind lr, $3  }
0x3a: {  	_ = 	snop  }
0x3b: {  	_ = 	snop  }
0x3c: {  	p2 =	seq.s32 s10, $0x1;
	s10 =	sld [smem:$0x3FB2]  }
0x3d: {  	_ =	shalt  }
0x3e: {  	_ =	shalt  }
0x3f: {  	_ =	shalt  }
0x40: {  	_ =	shalt  }
0x41: {  	_ =	shalt  }
0x42: {  	_ =	shalt  }
0x43: {  	_ =	shalt  }
0x44: {  	_ =	shalt  }
0x45: {  	_ =	shalt  }
0x46: {  	_ =	shalt  }
0x47: {  	_ =	shalt  }
0x48: {  	_ =	shalt  }
0x49: {  	_ =	shalt  }
0x4a: {  	_ =	shalt  }
0x4b: {  	_ =	shalt  }
0x4c: {  	_ =	shalt  }
0x4d: {  	_ =	shalt  }
0x4e: {  	_ =	shalt  }
0x4f: {  	_ =	shalt  }
0x50: {  	_ =	shalt  }
0x51: {  	_ =	shalt  }
0x52: {  	_ =	shalt  }
0x53: {  	_ =	shalt  }
0x54: {  	_ =	shalt  }
0x55: {  	_ =	shalt  }
0x56: {  	_ =	shalt  }
0x57: {  	_ =	shalt  }
0x58: {  	_ =	shalt  }
0x59: {  	_ =	shalt  }
0x5a: {  	_ =	shalt  }
0x5b: {  	_ =	shalt  }
0x5c: {  	_ =	shalt  }
0x5d: {  	_ =	shalt  }
0x5e: {  	_ =	shalt  }
0x5f: {  	_ =	shalt  }
0x60: {  	_ =	shalt  }
0x61: {  	_ =	shalt  }
0x62: {  	_ =	shalt  }
0x63: {  	_ =	shalt  }
0x64: {  	_ =	shalt  }
0x65: {  	_ =	shalt  }
0x66: {  	_ =	shalt  }
0x67: {  	_ =	shalt  }
0x68: {  	_ =	shalt  }
0x69: {  	_ =	shalt  }
0x6a: {  	_ =	shalt  }
0x6b: {  	_ =	shalt  }
0x6c: {  	_ =	shalt  }
0x6d: {  	_ =	shalt  }
0x6e: {  	_ =	shalt  }
0x6f: {  	_ =	shalt  }
0x70: {  	_ =	shalt  }
0x71: {  	_ =	shalt  }
0x72: {  	_ =	shalt  }
0x73: {  	_ =	shalt  }
0x74: {  	_ =	shalt  }
0x75: {  	_ =	shalt  }
0x76: {  	_ =	shalt  }
0x77: {  	_ =	shalt  }
0x78: {  	_ =	shalt  }
0x79: {  	_ =	shalt  }
0x7a: {  	_ =	shalt  }
0x7b: {  	_ =	shalt  }
0x7c: {  	_ =	shalt  }
0x7d: {  	_ =	shalt  }
0x7e: {  	_ =	shalt  }
0x7f: {  	_ =	shalt  }
0x80: {  	_ =	shalt  }
0x81: {  	_ =	shalt  }
0x82: {  	_ =	shalt  }
0x83: {  	_ =	shalt  }
0x84: {  	_ =	shalt  }
0x85: {  	_ =	shalt  }
0x86: {  	_ =	shalt  }
0x87: {  	_ =	shalt  }
.Lfunc_end0:
.L_simem_size_0:
called_computation.1_lowered:
.L_overlay_start_0:
0x88: {  	s2 =	sld [smem:$0x3FD9]  }
0x89: {  	s3 =	sld [smem:$0x3FFE];
	_ =	sdelay $0x1  }
0x8a: {  	s1 =	srdreg.scid  }
0x8b: {  	s0 =	sand.u32 $0x1, s1  }
0x8c: {  	s17 =	sshll.u32 s0, $0xA;
	s2 =	sadd.s32 s3, s2  }
0x8d: {  	s2 =	sadd.s32 s2, s17  }
0x8e: {  	[smem:$0x3FBE] =	sst s2  }
0x8f: {  	_ = 	snop  }
0x90: {  	s2 =	sld [smem:$0x3FD0];
	(tm) =	ssettm $0x1  }
0x91: {  	s18 =	sld [smem:$0x3FFB];
	_ =	sdelay $0x3  }
0x92: {  	_ =	strace s18  }
0x93: {  	s3 =	sld [smem:$0x3FFC];
	_ =	sdelay $0x3  }
0x94: {  	_ =	strace s3  }
0x95: {  	s3 =	sld [smem:$0x3FFD];
	_ =	sdelay $0x3  }
0x96: {  	_ =	strace s3  }
0x97: {  	_ =	strace $0x8FFFFFFF  }
0x98: {  	s19 =	sld [smem:$0x3FDB];
	_ =	sdelay $0x1  }
0x99: {  	s4 =	simm.s32 $_scs_section_size  }
0x9a: {  	s5 =	simm.s32 $_size__tile_overlayer_lowered;
	s6 =	simm.s32 $_tile_overlayer_lowered  }
0x9b: {  	s22 =	simm.s32 $0x1BFF;
	s21 =	sshll.u32 s6, $0x1;
	s3 =	sadd.s32 s4, s19  }
0x9c: {  	s7 =	simm.s32 $0x0;
	s20 =	sshll.u32 s5, $0x1;
	s5 =	sadd.s32 s21, s3  }
0x9d: {  	[timem:s7], [sflag:s22] =	dma.local [hbm:s5], s20  }
0x9e: {  	_ =	swait.ge [sflag:s22], s20  }
0x9f: {  	s4 =	ssub.s32 $0x0, s20;
	[sflag:s22] =	ssyncset.done $0x0  }
0xa0: {  	[sflag:s22] =	ssyncadd.s32 s4;
	_ =	sdelay $0x1  }
0xa1: {  	s23 =	simm.s32 $0x1B8B  }
0xa2: {  	_ =	swait.ge [sflag:s23], $0x1  }
0xa3: {  	[sflag:s23] =	ssyncset.done $0x0  }
0xa4: {  	s25 =	simm.s32 $0x1B8E;
	s24 =	sld [smem:$0x3FFE];
	[sflag:s23] =	ssyncadd.s32 $0xFFFFFFFF  }
0xa5: {  	s26 =	simm.s32 $execute0_lowered;
	[smem:$0x3FD2] =	sst s25  }
0xa6: {  	s5 =	sshll.u32 s26, $0x1;
	_ =	strace $0x80000049;
	[dreg:$0x1] =	wrdreg $0xFFFFFFFF  }
0xa7: {  	s28 =	simm.s32 $_size_execute0_lowered;
	s3 =	sadd.s32 s3, s5;
	[dreg:$0x0] =	wrdreg $0x0  }
0xa8: {  	s5 =	sshll.u32 s28, $0x1;
	[dreg:$0x2] =	wrdreg s3  }
0xa9: {  	[dreg:$0x3] =	wrdreg s5  }
0xaa: {  	[dreg:$0x4] =	wrdreg $0xC0  }
0xab: {  	_ =	task [dreg:s7], $0x5FFFF  }
0xac: {  	[dreg:$0x1] =	wrdreg $0xFFFFFFFF  }
0xad: {  	[dreg:$0x0] =	wrdreg $0x60  }
0xae: {  	[dreg:$0x2] =	wrdreg s24  }
0xaf: {  	[dreg:$0x3] =	wrdreg s2  }
0xb0: {  	[dreg:$0x4] =	wrdreg $0x91000  }
0xb1: {  	[dreg:$0x5] =	wrdreg $0x1D1000  }
0xb2: {  	[dreg:$0x6] =	wrdreg $0x9  }
0xb3: {  	_ =	task.clear_ibuf [dreg:s7], $0x7FFFF;
	_ =	strace $0x90000049  }
0xb4: {  	s29 =	simm.s32 $0x9;
	_ =	strace $0x8000004B  }
0xb5: {  	_ =	swait.ge [sflag:s29], $0x1  }
0xb6: {  	[sflag:s29] =	ssyncadd.s32 $0xFFFFFFFF  }
0xb7: {  	_ =	strace $0x9000004B  }
0xb8: {  	_ =	sfence  }
0xb9: {  	s30 =	sld [smem:$0x0];
	_ =	sdelay $0x2  }
0xba: {  	s31 =	sshll.u32 s1, $0xD;
	s1 =	sshrl.u32 s1, $0x2  }
0xbb: {  	s3 =	sand.u32 $0x4000, s31;
	s1 =	sadd.s32 s1, s30  }
0xbc: {  	s0 =	sor.u32 s3, s0;
	s1 =	sshll.u32 s1, $0x11  }
0xbd: {  	s0 =	sor.u32 s1, s0  }
0xbe: {  	s0 =	sadd.s32 $0x8F2B, s0  }
0xbf: {  	[sflag:s0] =	ssyncadd.remote.s32 $0x1  }
0xc0: {  	_ =	sfence.sel $0xFFFF  }
0xc1: {  	[dreg:$0x0] =	wrdreg $0xFFFFFFFF;
	(pc) =	sbr.abs _section_cstart, $3  }
0xc2: {  	[dreg:$0x1] =	wrdreg $0xFFFFFFFF  }
0xc3: {  	_ =	task.clear_ibuf [dreg:s7], $0x2FFFF;
	_ =	strace $0x9FFFFFFF  }
0xc4: {  	(tm) =	ssettm $0x7FFFFFFF  }
0xc5: {  	_ =	shalt  }
tec
execute0_lowered:
.L_overlay_start_1:
0x0: {  	(tag) =	ssettag $0x1  }
0x1: {  	s0 =	rddreg [dreg:$0x0]  }
0x2: {  	s5 =	rddreg [dreg:$0x1]  }
0x3: {  	s1 =	rddreg [dreg:$0x2]  }
0x4: {  	s2 =	rddreg [dreg:$0x3]  }
0x5: {  	s4 =	simm.s32 $0x0;
	s3 =	srdreg.scid;
	s18 =	stileid.u32  }
0x6: {  	s29 =	simm.s32 $0x3;
	s30 =	simm.s32 $0x5;
	s31 =	simm.s32 $0x80  }
0x7: {  	[smem:$0x7FF] =	sst s4;
	s6 =	sand.u32 $0x1, s3;
	s11 =	smul.u32 $0x280, s18  }
0x8: {  	s23 =	sshll.u32 s18, $0x1;
	s7 =	sadd.s32 $0xA3DA00, s0;
	s25 =	smul.u32 $0x2800, s18  }
0x9: {  	s13 =	smul.u32 $0xA0, s18;
	_ =	strace $0x8000004A;
	s8 =	sor.u32 s6, s23  }
0xa: {  	s9 =	smul.u32 $0x28000, s6;
	s10 =	ssub.s32 $0x2, s6;
	s24 =	sshll.u32 s6, $0x4  }
0xb: {  	s6 =	smul.u32 $0x27100, s6;
	s3 =	sshll.u32 s8, $0xB;
	s12 =	sshrl.u32 s10, $0x1  }
0xc: {  	s8 =	smul.u32 $0x27100, s8;
	s5 =	sadd.s32 s5, s24;
	s15 =	sadd.s32 $0x100, s11  }
0xd: {  	s20 =	sadd.s32 $0x180, s11;
	s22 =	sadd.s32 $0x200, s11;
	s3 =	sadd.s32 s3, s0  }
0xe: {  	s9 =	sadd.s32 s9, s0;
	s0 =	ssub.s32 s10, s12;
	s10 =	smul.u32 $0x50000, s18  }
0xf: {  	s28 =	sadd.s32 s11, s2;
	s17 =	sshll.u32 s15, $0x4;
	s18 =	smul.u32 $0x4E200, s18  }
0x10: {  	s19 =	sshrl.u32 s15, $0x2;
	s21 =	sshll.u32 s20, $0x4;
	s26 =	sshll.u32 s22, $0x4  }
0x11: {  	s23 =	sadd.s32 s7, s8;
	s8 =	sadd.s32 $0x55BA00, s9;
	s3 =	sadd.s32 $0x54BA00, s3  }
0x12: {  	s9 =	sadd.s32 $0x80, s11;
	s0 =	smax.u32 s0, $0x1;
	[dreg:$0x1d] =	wrdreg s3  }
0x13: {  	s14 =	sshll.u32 s9, $0x4;
	s12 =	sadd.s32 s25, s8;
	[dreg:$0x1e] =	wrdreg s0  }
0x14: {  	s16 =	sshrl.u32 s9, $0x2;
	s17 =	sadd.s32 s17, s8;
	[dreg:$0x5] =	wrdreg s12  }
0x15: {  	s7 =	sadd.s32 s18, s7;
	s24 =	sadd.s32 s21, s8;
	[dreg:$0x7] =	wrdreg s17  }
0x16: {  	s18 =	sshrl.u32 s20, $0x2;
	s14 =	sadd.s32 s14, s8;
	[dreg:$0x8] =	wrdreg s24  }
0x17: {  	s6 =	sadd.s32 s6, s7;
	s7 =	sadd.s32 s26, s8;
	[dreg:$0x6] =	wrdreg s14  }
0x18: {  	s25 =	sshrl.u32 s22, $0x2;
	s26 =	sadd.s32 s13, s5;
	[dreg:$0x9] =	wrdreg s7  }
0x19: {  	s0 =	simm.s32 $0x4;
	s12 =	sadd.s32 s16, s5;
	[dreg:$0xa] =	wrdreg s26  }
0x1a: {  	s13 =	sadd.s32 s19, s5;
	s16 =	sor.u32 $0x50, s11;
	[dreg:$0xb] =	wrdreg s12  }
0x1b: {  	s17 =	sshrl.u32 s10, $0x2;
	s19 =	sadd.s32 $0xA0, s11;
	[dreg:$0xc] =	wrdreg s13  }
0x1c: {  	s14 =	sadd.s32 s18, s5;
	s5 =	sadd.s32 s25, s5;
	s18 =	sshll.u32 s16, $0x7  }
0x1d: {  	s17 =	sadd.s32 s17, s1;
	s24 =	sshll.u32 s19, $0x7;
	s26 =	sadd.s32 $0xF0, s11  }
0x1e: {  	s8 =	sadd.s32 s19, s2;
	s12 =	sadd.s32 $0x140, s11;
	[dreg:$0xd] =	wrdreg s14  }
0x1f: {  	[dreg:$0xe] =	wrdreg s5;
	s21 =	sadd.s32 s18, s1;
	s5 =	sadd.s32 s16, s2  }
0x20: {  	s25 =	sadd.s32 s24, s1;
	[dreg:$0x12] =	wrdreg s8;
	s10 =	sshll.u32 s26, $0x7  }
0x21: {  	s13 =	sshll.u32 s12, $0x7;
	s14 =	sadd.s32 $0x190, s11;
	[dreg:$0xf] =	wrdreg s21  }
0x22: {  	s19 =	sadd.s32 s12, s2;
	s24 =	sadd.s32 $0x230, s11;
	[dreg:$0x10] =	wrdreg s5  }
0x23: {  	s12 =	sshll.u32 s9, $0x7;
	[dreg:$0x11] =	wrdreg s25;
	s7 =	sadd.s32 s10, s1  }
0x24: {  	s5 =	sadd.s32 s26, s2;
	s16 =	sadd.s32 s13, s1;
	s18 =	sshll.u32 s14, $0x7  }
0x25: {  	[dreg:$0x16] =	wrdreg s19;
	s21 =	sadd.s32 $0x1E0, s11;
	s10 =	sadd.s32 s14, s2  }
0x26: {  	s26 =	sshll.u32 s24, $0x7;
	s11 =	sadd.s32 s24, s2;
	s13 =	sshll.u32 s15, $0x7  }
0x27: {  	s3 =	sadd.s32 s12, s1;
	s14 =	sadd.s32 s9, s2;
	[dreg:$0x13] =	wrdreg s7  }
0x28: {  	s15 =	sadd.s32 s15, s2;
	s19 =	sadd.s32 s20, s2;
	[dreg:$0x14] =	wrdreg s5  }
0x29: {  	s12 =	smov.u32 s23;
	[dreg:$0x15] =	wrdreg s16;
	s5 =	sadd.s32 s18, s1  }
0x2a: {  	s25 =	sshll.u32 s21, $0x7;
	[dreg:$0x18] =	wrdreg s10;
	s10 =	sadd.s32 s26, s1  }
0x2b: {  	[dreg:$0x1c] =	wrdreg s11;
	s16 =	sshll.u32 s20, $0x7;
	s18 =	sshll.u32 s22, $0x7  }
0x2c: {  	s20 =	sadd.s32 s22, s2;
	s22 =	sshrl.u32 s14, $0x3;
	s7 =	simm.s32 $0x3E00  }
0x2d: {  	[dreg:$0x17] =	wrdreg s5;
	s8 =	sadd.s32 s25, s1;
	s5 =	sadd.s32 s21, s2  }
0x2e: {  	[dreg:$0x1b] =	wrdreg s10;
	s9 =	sadd.s32 s16, s1;
	s10 =	sadd.s32 s18, s1  }
0x2f: {  	s21 =	sshrl.u32 s3, $0x3;
	[smem:$0x7FA] =	sst s22;
	s25 =	sshrl.u32 s15, $0x3  }
0x30: {  	s15 =	sshrl.u32 s20, $0x3;
	s16 =	sadd.s32 $0x500, s23;
	[dreg:$0x19] =	wrdreg s8  }
0x31: {  	s18 =	sadd.s32 $0xA00, s23;
	s20 =	simm.s32 $0x7;
	[dreg:$0x1a] =	wrdreg s5  }
0x32: {  	s22 =	simm.s32 $0x1;
	s23 =	simm.s32 $0x6800;
	[dreg:$0x1f] =	wrdreg s21  }
0x33: {  	s3 =	simm.s32 $0x6;
	s5 =	sadd.s32 s13, s1;
	[smem:$0x7FC] =	sst s25  }
0x34: {  	s26 =	sshrl.u32 s9, $0x3;
	s13 =	sshrl.u32 s19, $0x3;
	s14 =	sshrl.u32 s10, $0x3  }
0x35: {  	s19 =	simm.s32 $0x4000;
	s21 =	simm.s32 $0x9080;
	s25 =	simm.s32 $0x9000  }
0x36: {  	s8 =	simm.s32 $0x0;
	s24 =	sshrl.u32 s5, $0x3;
	[smem:$0x7FD] =	sst s26  }
0x37: {  	v0 =	vimm.f32 $0.0e+00;
	v1 =	vimm.f32 $1.000000000e+00;
	s26 =	simm.s32 $0x2;
	[smem:$0x7FB] =	sst s24;
	s24 =	simm.s32 $0x50  }
.LBB2_1:
0x38: {  	s9 =	simm.s32 $0x0;
	s10 =	simm.s32 $0x200  }
.LBB2_2:
0x39: {  	p0 =	sne.s32 s10, $0x9E00;
	[tilespmem:s9+$0x4070] =	vst v0  }
0x3a: {  	[tilespmem:s9+$0x4000] =	vst v0  }
0x3b: {  	[tilespmem:s9+$0x4010] =	vst v0  }
.Ltmp0:
0x3c: {  	[tilespmem:s9+$0x4020] =	vst v0;
	(pc) =	sbr.rel @p0 .LBB2_2-.Ltmp0, $4  }
0x3d: {  	[tilespmem:s9+$0x4030] =	vst v0  }
0x3e: {  	[tilespmem:s9+$0x4040] =	vst v0  }
0x3f: {  	[tilespmem:s9+$0x4050] =	vst v0  }
0x40: {  	[tilespmem:s9+$0x4060] =	vst v0;
	s9 =	sshra.s32 s10, $0x2;
	s10 =	sadd.s32 $0x200, s10  }
0x41: {  	[tilespmem:s9+$0x4070] =	vst v0  }
0x42: {  	[tilespmem:s9+$0x4000] =	vst v0  }
0x43: {  	[tilespmem:s9+$0x4010] =	vst v0  }
0x44: {  	[tilespmem:s9+$0x4020] =	vst v0  }
0x45: {  	[tilespmem:s9+$0x4030] =	vst v0  }
0x46: {  	[tilespmem:s9+$0x4040] =	vst v0  }
0x47: {  	[tilespmem:s9+$0x4050] =	vst v0  }
0x48: {  	[tilespmem:s9+$0x4060] =	vst v0  }
0x49: {  	[tilespmem:$0x9080] =	vst v0  }
0x4a: {  	[tilespmem:$0x9000] =	vst v1  }
0x4b: {  	[tilespmem:$0x9090] =	vst v0  }
0x4c: {  	[tilespmem:$0x9010] =	vst v1  }
0x4d: {  	[tilespmem:$0x90A0] =	vst v0  }
0x4e: {  	[tilespmem:$0x9020] =	vst v1  }
0x4f: {  	[tilespmem:$0x90B0] =	vst v0  }
0x50: {  	[tilespmem:$0x9030] =	vst v1  }
0x51: {  	[tilespmem:$0x90C0] =	vst v0  }
0x52: {  	[tilespmem:$0x9040] =	vst v1  }
0x53: {  	[spmem:s17] =	stream.linear.scatter [tilespmem:s19], [sflag:$0x7], $0x2800, $0x38;
	[tilespmem:$0x1D380] =	vst v63  }
0x54: {  	_ =	swait.ge [sflag:s20], $0x2800  }
0x55: {  	[sflag:s20] =	ssyncset.done $0x0  }
0x56: {  	[sflag:s20] =	ssyncadd.s32 $0xFFFFD800  }
0x57: {  	[spmem:s28] =	stream.linear.scatter [tilespmem:s21], [sflag:$0x7], $0x50, $0x38;
	[tilespmem:$0x1D380] =	vst v63  }
0x58: {  	_ =	swait.ge [sflag:s20], $0x50  }
0x59: {  	[sflag:s20] =	ssyncset.done $0x0  }
0x5a: {  	s5 =	rddreg [dreg:$0xf];
	[sflag:s20] =	ssyncadd.s32 $0xFFFFFFB0  }
0x5b: {  	[spmem:s5] =	stream.linear.scatter [tilespmem:s19], [sflag:$0x7], $0x2800, $0x38;
	[tilespmem:$0x1D380] =	vst v63  }
0x5c: {  	_ =	swait.ge [sflag:s20], $0x2800  }
0x5d: {  	[sflag:s20] =	ssyncset.done $0x0  }
0x5e: {  	s9 =	rddreg [dreg:$0x10];
	[sflag:s20] =	ssyncadd.s32 $0xFFFFD800  }
0x5f: {  	[spmem:s9] =	stream.linear.scatter [tilespmem:s21], [sflag:$0x7], $0x50, $0x38;
	[tilespmem:$0x1D380] =	vst v63  }
0x60: {  	_ =	swait.ge [sflag:s20], $0x50  }
0x61: {  	[sflag:s20] =	ssyncset.done $0x0  }
0x62: {  	s10 =	rddreg [dreg:$0x11];
	[sflag:s20] =	ssyncadd.s32 $0xFFFFFFB0  }
0x63: {  	[spmem:s10] =	stream.linear.scatter [tilespmem:s19], [sflag:$0x7], $0x2800, $0x38;
	[tilespmem:$0x1D380] =	vst v63  }
0x64: {  	_ =	swait.ge [sflag:s20], $0x2800  }
0x65: {  	[sflag:s20] =	ssyncset.done $0x0  }
0x66: {  	s11 =	rddreg [dreg:$0x12];
	[sflag:s20] =	ssyncadd.s32 $0xFFFFD800  }
0x67: {  	[spmem:s11] =	stream.linear.scatter [tilespmem:s21], [sflag:$0x7], $0x50, $0x38;
	[tilespmem:$0x1D380] =	vst v63  }
0x68: {  	_ =	swait.ge [sflag:s20], $0x50  }
0x69: {  	[sflag:s20] =	ssyncset.done $0x0  }
0x6a: {  	s9 =	rddreg [dreg:$0x13];
	[sflag:s20] =	ssyncadd.s32 $0xFFFFFFB0  }
0x6b: {  	[spmem:s9] =	stream.linear.scatter [tilespmem:s19], [sflag:$0x7], $0x2800, $0x38;
	[tilespmem:$0x1D380] =	vst v63  }
0x6c: {  	_ =	swait.ge [sflag:s20], $0x2800  }
0x6d: {  	[sflag:s20] =	ssyncset.done $0x0  }
0x6e: {  	s10 =	rddreg [dreg:$0x14];
	[sflag:s20] =	ssyncadd.s32 $0xFFFFD800  }
0x6f: {  	[spmem:s10] =	stream.linear.scatter [tilespmem:s21], [sflag:$0x7], $0x50, $0x38;
	[tilespmem:$0x1D380] =	vst v63  }
0x70: {  	_ =	swait.ge [sflag:s20], $0x50  }
0x71: {  	[sflag:s20] =	ssyncset.done $0x0  }
0x72: {  	s11 =	rddreg [dreg:$0x15];
	[sflag:s20] =	ssyncadd.s32 $0xFFFFFFB0  }
0x73: {  	[spmem:s11] =	stream.linear.scatter [tilespmem:s19], [sflag:$0x7], $0x2800, $0x38;
	[tilespmem:$0x1D380] =	vst v63  }
0x74: {  	_ =	swait.ge [sflag:s20], $0x2800  }
0x75: {  	[sflag:s20] =	ssyncset.done $0x0  }
0x76: {  	s9 =	rddreg [dreg:$0x16];
	[sflag:s20] =	ssyncadd.s32 $0xFFFFD800  }
0x77: {  	[spmem:s9] =	stream.linear.scatter [tilespmem:s21], [sflag:$0x7], $0x50, $0x38;
	[tilespmem:$0x1D380] =	vst v63  }
0x78: {  	_ =	swait.ge [sflag:s20], $0x50  }
0x79: {  	[sflag:s20] =	ssyncset.done $0x0  }
0x7a: {  	s10 =	rddreg [dreg:$0x17];
	[sflag:s20] =	ssyncadd.s32 $0xFFFFFFB0  }
0x7b: {  	[spmem:s10] =	stream.linear.scatter [tilespmem:s19], [sflag:$0x7], $0x2800, $0x38;
	[tilespmem:$0x1D380] =	vst v63  }
0x7c: {  	_ =	swait.ge [sflag:s20], $0x2800  }
0x7d: {  	[sflag:s20] =	ssyncset.done $0x0  }
0x7e: {  	s11 =	rddreg [dreg:$0x18];
	[sflag:s20] =	ssyncadd.s32 $0xFFFFD800  }
0x7f: {  	[spmem:s11] =	stream.linear.scatter [tilespmem:s21], [sflag:$0x7], $0x50, $0x38;
	[tilespmem:$0x1D380] =	vst v63  }
0x80: {  	_ =	swait.ge [sflag:s20], $0x50  }
0x81: {  	[sflag:s20] =	ssyncset.done $0x0  }
0x82: {  	s9 =	rddreg [dreg:$0x19];
	[sflag:s20] =	ssyncadd.s32 $0xFFFFFFB0  }
0x83: {  	[spmem:s9] =	stream.linear.scatter [tilespmem:s19], [sflag:$0x7], $0x2800, $0x38;
	[tilespmem:$0x1D380] =	vst v63  }
0x84: {  	_ =	swait.ge [sflag:s20], $0x2800  }
0x85: {  	[sflag:s20] =	ssyncset.done $0x0  }
0x86: {  	s10 =	rddreg [dreg:$0x1a];
	[sflag:s20] =	ssyncadd.s32 $0xFFFFD800  }
0x87: {  	[spmem:s10] =	stream.linear.scatter [tilespmem:s21], [sflag:$0x7], $0x50, $0x38;
	[tilespmem:$0x1D380] =	vst v63  }
0x88: {  	_ =	swait.ge [sflag:s20], $0x50  }
0x89: {  	[sflag:s20] =	ssyncset.done $0x0  }
0x8a: {  	s11 =	rddreg [dreg:$0x1b];
	[sflag:s20] =	ssyncadd.s32 $0xFFFFFFB0  }
0x8b: {  	[spmem:s11] =	stream.linear.scatter [tilespmem:s19], [sflag:$0x7], $0x2800, $0x38;
	[tilespmem:$0x1D380] =	vst v63  }
0x8c: {  	_ =	swait.ge [sflag:s20], $0x2800  }
0x8d: {  	[sflag:s20] =	ssyncset.done $0x0  }
0x8e: {  	s9 =	rddreg [dreg:$0x1c];
	[sflag:s20] =	ssyncadd.s32 $0xFFFFD800  }
0x8f: {  	[spmem:s9] =	stream.linear.scatter [tilespmem:s21], [sflag:$0x7], $0x50, $0x38;
	[tilespmem:$0x1D380] =	vst v63  }
0x90: {  	_ =	swait.ge [sflag:s20], $0x50  }
0x91: {  	[sflag:s20] =	ssyncset.done $0x0  }
0x92: {  	[sflag:s20] =	ssyncadd.s32 $0xFFFFFFB0  }
0x93: {  	[bflag:$0x0] =	sbarrier.arrive $0xFFFF  }
0x94: {  	s10 =	simm.s32 $0x0;
	s11 =	rddreg [dreg:$0x1d]  }
0x95: {  	[tilespmem:s10], [sflag:$0x7] =	stream.linear.gather [hbm4b:s11+s10], $0x3E80, $0x38;
	[tilespmem:$0x1D380] =	vst v63  }
0x96: {  	_ =	swait.ge [sflag:s20], $0x3E80  }
0x97: {  	[sflag:s20] =	ssyncset.done $0x0  }
0x98: {  	[sflag:s20] =	ssyncadd.s32 $0xFFFFC180  }
0x99: {  	[tilespmem:s19], [sflag:$0x1] =	stream.linear.gather [hbm4b:s12+s10], $0x2800, $0x38;
	[tilespmem:$0x1D380] =	vst v63  }
0x9a: {  	_ =	swait.ge [sflag:s22], $0x2800  }
0x9b: {  	[sflag:s22] =	ssyncset.done $0x0  }
0x9c: {  	[sflag:s22] =	ssyncadd.s32 $0xFFFFD800  }
0x9d: {  	[tilespmem:s23], [sflag:$0x2] =	stream.linear.gather [hbm4b:s16+s10], $0x2800, $0x38;
	[tilespmem:$0x1D380] =	vst v63  }
0x9e: {  	_ = 	snop  }
0x9f: {  	[spmem:s1] =	stream.indirect.scatter.add.f32 [tilespmem:s19], [sflag:$0x3], $0x80, s10, s24, $0xb8;
	[tilespmem:$0x1D380] =	vst v63  }
0xa0: {  	_ = 	snop  }
0xa1: {  	[spmem:s2] =	stream.indirect.scatter.add.f32 [tilespmem:s25], [sflag:$0x5], $0x1, s10, s24, $0xb8;
	[tilespmem:$0x1D380] =	vst v63  }
0xa2: {  	_ =	swait.ge [sflag:s26], $0x2800  }
0xa3: {  	[sflag:s26] =	ssyncset.done $0x0  }
0xa4: {  	[sflag:s26] =	ssyncadd.s32 $0xFFFFD800  }
0xa5: {  	_ =	swait.ge [sflag:s29], $0x2800  }
0xa6: {  	[sflag:s29] =	ssyncset.done $0x0  }
0xa7: {  	[sflag:s29] =	ssyncadd.s32 $0xFFFFD800  }
0xa8: {  	_ =	swait.ge [sflag:s30], $0x50  }
0xa9: {  	[sflag:s30] =	ssyncset.done $0x0  }
0xaa: {  	[sflag:s30] =	ssyncadd.s32 $0xFFFFFFB0  }
0xab: {  	[tilespmem:s19], [sflag:$0x1] =	stream.linear.gather [hbm4b:s18+s10], $0x2800, $0x38;
	[tilespmem:$0x1D380] =	vst v63  }
0xac: {  	_ = 	snop  }
0xad: {  	[spmem:s1] =	stream.indirect.scatter.add.f32 [tilespmem:s23], [sflag:$0x4], $0x80, s31, s24, $0xb8;
	[tilespmem:$0x1D380] =	vst v63  }
0xae: {  	_ = 	snop  }
0xaf: {  	[spmem:s2] =	stream.indirect.scatter.add.f32 [tilespmem:s25], [sflag:$0x6], $0x1, s31, s24, $0xb8;
	[tilespmem:$0x1D380] =	vst v63  }
0xb0: {  	_ =	swait.ge [sflag:s22], $0x2800  }
0xb1: {  	[sflag:s22] =	ssyncset.done $0x0  }
0xb2: {  	[sflag:s22] =	ssyncadd.s32 $0xFFFFD800  }
0xb3: {  	_ =	swait.ge [sflag:s0], $0x2800  }
0xb4: {  	[sflag:s0] =	ssyncset.done $0x0  }
0xb5: {  	[sflag:s0] =	ssyncadd.s32 $0xFFFFD800  }
0xb6: {  	_ =	swait.ge [sflag:s3], $0x50  }
0xb7: {  	s5 =	sadd.s32 $0x0, s6;
	[sflag:s3] =	ssyncset.done $0x0  }
0xb8: {  	s10 =	sadd.s32 $0xF00, s5;
	[sflag:s3] =	ssyncadd.s32 $0xFFFFFFB0  }
0xb9: {  	[tilespmem:s23], [sflag:$0x2] =	stream.linear.gather [hbm4b:s10+s4], $0x2800, $0x38;
	[tilespmem:$0x1D380] =	vst v63  }
0xba: {  	s11 =	simm.s32 $0x100  }
0xbb: {  	[spmem:s1] =	stream.indirect.scatter.add.f32 [tilespmem:s19], [sflag:$0x3], $0x80, s11, s24, $0xb8;
	[tilespmem:$0x1D380] =	vst v63  }
0xbc: {  	_ = 	snop  }
0xbd: {  	[spmem:s2] =	stream.indirect.scatter.add.f32 [tilespmem:s25], [sflag:$0x5], $0x1, s11, s24, $0xb8;
	[tilespmem:$0x1D380] =	vst v63  }
0xbe: {  	_ =	swait.ge [sflag:s26], $0x2800  }
0xbf: {  	[sflag:s26] =	ssyncset.done $0x0  }
0xc0: {  	[sflag:s26] =	ssyncadd.s32 $0xFFFFD800  }
0xc1: {  	_ =	swait.ge [sflag:s29], $0x2800  }
0xc2: {  	[sflag:s29] =	ssyncset.done $0x0  }
0xc3: {  	[sflag:s29] =	ssyncadd.s32 $0xFFFFD800  }
0xc4: {  	_ =	swait.ge [sflag:s30], $0x50  }
0xc5: {  	[sflag:s30] =	ssyncset.done $0x0  }
0xc6: {  	s5 =	sadd.s32 $0x1400, s5;
	[sflag:s30] =	ssyncadd.s32 $0xFFFFFFB0  }
0xc7: {  	[tilespmem:s19], [sflag:$0x1] =	stream.linear.gather [hbm4b:s5+s4], $0x2800, $0x38;
	[tilespmem:$0x1D380] =	vst v63  }
0xc8: {  	s9 =	simm.s32 $0xA00;
	s10 =	simm.s32 $0x200;
	s5 =	simm.s32 $0x180  }
0xc9: {  	[spmem:s1] =	stream.indirect.scatter.add.f32 [tilespmem:s23], [sflag:$0x4], $0x80, s5, s24, $0xb8;
	[tilespmem:$0x1D380] =	vst v63  }
.LBB2_4:
0xca: {  	[spmem:s2] =	stream.indirect.scatter.add.f32 [tilespmem:s25], [sflag:$0x6], $0x1, s5, s24, $0xb8;
	[tilespmem:$0x1D380] =	vst v63  }
0xcb: {  	s5 =	smov.u32 s9  }
0xcc: {  	p0 =	sne.s32 s9, $0x25800;
	s9 =	sadd.s32 $0xA00, s9;
	_ =	swait.ge [sflag:s22], $0x2800  }
0xcd: {  	[sflag:s22] =	ssyncset.done $0x0  }
0xce: {  	[sflag:s22] =	ssyncadd.s32 $0xFFFFD800  }
0xcf: {  	_ =	swait.ge [sflag:s0], $0x2800  }
0xd0: {  	[sflag:s0] =	ssyncset.done $0x0  }
0xd1: {  	[sflag:s0] =	ssyncadd.s32 $0xFFFFD800  }
0xd2: {  	_ =	swait.ge [sflag:s3], $0x50  }
0xd3: {  	s5 =	sadd.s32 s5, s6;
	[sflag:s3] =	ssyncset.done $0x0  }
0xd4: {  	s11 =	sadd.s32 $0xF00, s5;
	[sflag:s3] =	ssyncadd.s32 $0xFFFFFFB0  }
0xd5: {  	[tilespmem:s23], [sflag:$0x2] =	stream.linear.gather [hbm4b:s11+s4], $0x2800, $0x38;
	[tilespmem:$0x1D380] =	vst v63  }
0xd6: {  	_ = 	snop  }
0xd7: {  	[spmem:s1] =	stream.indirect.scatter.add.f32 [tilespmem:s19], [sflag:$0x3], $0x80, s10, s24, $0xb8;
	[tilespmem:$0x1D380] =	vst v63  }
0xd8: {  	_ = 	snop  }
0xd9: {  	[spmem:s2] =	stream.indirect.scatter.add.f32 [tilespmem:s25], [sflag:$0x5], $0x1, s10, s24, $0xb8;
	[tilespmem:$0x1D380] =	vst v63  }
0xda: {  	_ =	swait.ge [sflag:s26], $0x2800  }
0xdb: {  	[sflag:s26] =	ssyncset.done $0x0  }
0xdc: {  	[sflag:s26] =	ssyncadd.s32 $0xFFFFD800  }
0xdd: {  	_ =	swait.ge [sflag:s29], $0x2800  }
0xde: {  	[sflag:s29] =	ssyncset.done $0x0  }
0xdf: {  	[sflag:s29] =	ssyncadd.s32 $0xFFFFD800  }
0xe0: {  	_ =	swait.ge [sflag:s30], $0x50  }
0xe1: {  	[sflag:s30] =	ssyncset.done $0x0  }
.Ltmp1:
0xe2: {  	s5 =	sadd.s32 $0x1400, s5;
	[sflag:s30] =	ssyncadd.s32 $0xFFFFFFB0;
	(pc) =	sbr.rel @p0 .LBB2_4-.Ltmp1, $4  }
0xe3: {  	[tilespmem:s19], [sflag:$0x1] =	stream.linear.gather [hbm4b:s5+s4], $0x2800, $0x38;
	[tilespmem:$0x1D380] =	vst v63  }
0xe4: {  	s5 =	sadd.s32 $0x80, s10  }
0xe5: {  	[spmem:s1] =	stream.indirect.scatter.add.f32 [tilespmem:s23], [sflag:$0x4], $0x80, s5, s24, $0xb8;
	[tilespmem:$0x1D380] =	vst v63  }
0xe6: {  	s10 =	sadd.s32 $0x100, s10  }
0xe7: {  	[spmem:s2] =	stream.indirect.scatter.add.f32 [tilespmem:s25], [sflag:$0x6], $0x1, s5, s24, $0xb8;
	[tilespmem:$0x1D380] =	vst v63  }
0xe8: {  	_ =	swait.ge [sflag:s22], $0x2800  }
0xe9: {  	[sflag:s22] =	ssyncset.done $0x0  }
0xea: {  	[sflag:s22] =	ssyncadd.s32 $0xFFFFD800  }
0xeb: {  	_ =	swait.ge [sflag:s0], $0x2800  }
0xec: {  	[sflag:s0] =	ssyncset.done $0x0  }
0xed: {  	[sflag:s0] =	ssyncadd.s32 $0xFFFFD800  }
0xee: {  	_ =	swait.ge [sflag:s3], $0x50  }
0xef: {  	[sflag:s3] =	ssyncset.done $0x0  }
0xf0: {  	[sflag:s3] =	ssyncadd.s32 $0xFFFFFFB0  }
0xf1: {  	[spmem:s1] =	stream.indirect.scatter.add.f32 [tilespmem:s19], [sflag:$0x3], $0x80, s7, s24, $0xb8;
	[tilespmem:$0x1D380] =	vst v63  }
0xf2: {  	_ = 	snop  }
0xf3: {  	[spmem:s2] =	stream.indirect.scatter.add.f32 [tilespmem:s25], [sflag:$0x5], $0x1, s7, s24, $0xb8;
	[tilespmem:$0x1D380] =	vst v63  }
0xf4: {  	_ =	swait.ge [sflag:s29], $0x2800  }
0xf5: {  	[sflag:s29] =	ssyncset.done $0x0  }
0xf6: {  	[sflag:s29] =	ssyncadd.s32 $0xFFFFD800  }
0xf7: {  	_ =	swait.ge [sflag:s30], $0x50  }
0xf8: {  	[sflag:s30] =	ssyncset.done $0x0  }
0xf9: {  	s9 =	stileid.u32;
	[sflag:s30] =	ssyncadd.s32 $0xFFFFFFB0  }
0xfa: {  	s5 =	sshll.u32 s9, $0x6;
	[bflag:$0x0] =	sbarrier.arrive $0xFFFF  }
0xfb: {  	s9 =	sshrl.u32 s17, $0x3;
	s5 =	sor.u32 $0x1C07, s5;
	s10 =	rddreg [dreg:$0x5]  }
0xfc: {  	[hbm:s10], [sflag:s5] =	dma.local [spmem:s9], $0x800  }
0xfd: {  	_ =	swait.ge [sflag:s20], $0x800  }
0xfe: {  	[sflag:s20] =	ssyncset.done $0x0  }
0xff: {  	s10 =	sshrl.u32 s28, $0x3;
	s11 =	rddreg [dreg:$0xa];
	[sflag:s20] =	ssyncadd.s32 $0xFFFFF800  }
0x100: {  	[hbm:s11], [sflag:s5] =	dma.local [spmem:s10], $0x10  }
0x101: {  	_ =	swait.ge [sflag:s20], $0x10  }
0x102: {  	[sflag:s20] =	ssyncset.done $0x0;
	s10 =	rddreg [dreg:$0x6]  }
0x103: {  	s11 =	rddreg [dreg:$0x1f];
	[sflag:s20] =	ssyncadd.s32 $0xFFFFFFF0  }
0x104: {  	[hbm:s10], [sflag:s5] =	dma.local [spmem:s11], $0x800  }
0x105: {  	_ =	swait.ge [sflag:s20], $0x800  }
0x106: {  	s11 =	sld [smem:$0x7FA]  }
0x107: {  	[sflag:s20] =	ssyncset.done $0x0  }
0x108: {  	s10 =	rddreg [dreg:$0xb];
	[sflag:s20] =	ssyncadd.s32 $0xFFFFF800  }
0x109: {  	[hbm:s10], [sflag:s5] =	dma.local [spmem:s11], $0x10  }
0x10a: {  	_ =	swait.ge [sflag:s20], $0x10  }
0x10b: {  	s11 =	sld [smem:$0x7FB]  }
0x10c: {  	[sflag:s20] =	ssyncset.done $0x0  }
0x10d: {  	s10 =	rddreg [dreg:$0x7];
	[sflag:s20] =	ssyncadd.s32 $0xFFFFFFF0  }
0x10e: {  	[hbm:s10], [sflag:s5] =	dma.local [spmem:s11], $0x800  }
0x10f: {  	_ =	swait.ge [sflag:s20], $0x800  }
0x110: {  	s11 =	sld [smem:$0x7FC]  }
0x111: {  	[sflag:s20] =	ssyncset.done $0x0  }
0x112: {  	s10 =	rddreg [dreg:$0xc];
	[sflag:s20] =	ssyncadd.s32 $0xFFFFF800  }
0x113: {  	[hbm:s10], [sflag:s5] =	dma.local [spmem:s11], $0x10  }
0x114: {  	_ =	swait.ge [sflag:s20], $0x10  }
0x115: {  	s11 =	sld [smem:$0x7FD]  }
0x116: {  	[sflag:s20] =	ssyncset.done $0x0  }
0x117: {  	s10 =	rddreg [dreg:$0x8];
	[sflag:s20] =	ssyncadd.s32 $0xFFFFFFF0  }
0x118: {  	[hbm:s10], [sflag:s5] =	dma.local [spmem:s11], $0x800  }
0x119: {  	_ =	swait.ge [sflag:s20], $0x800  }
0x11a: {  	[sflag:s20] =	ssyncset.done $0x0  }
0x11b: {  	s10 =	rddreg [dreg:$0xd];
	[sflag:s20] =	ssyncadd.s32 $0xFFFFF800  }
0x11c: {  	[hbm:s10], [sflag:s5] =	dma.local [spmem:s13], $0x10  }
0x11d: {  	_ =	swait.ge [sflag:s20], $0x10  }
0x11e: {  	[sflag:s20] =	ssyncset.done $0x0  }
0x11f: {  	s11 =	rddreg [dreg:$0x9];
	[sflag:s20] =	ssyncadd.s32 $0xFFFFFFF0  }
0x120: {  	[hbm:s11], [sflag:s5] =	dma.local [spmem:s14], $0x800  }
0x121: {  	_ =	swait.ge [sflag:s20], $0x800  }
0x122: {  	[sflag:s20] =	ssyncset.done $0x0  }
0x123: {  	s10 =	rddreg [dreg:$0xe];
	[sflag:s20] =	ssyncadd.s32 $0xFFFFF800  }
0x124: {  	[hbm:s10], [sflag:s5] =	dma.local [spmem:s15], $0x10  }
0x125: {  	_ =	swait.ge [sflag:s20], $0x10  }
0x126: {  	s8 =	sadd.s32 $0x1, s8;
	s11 =	rddreg [dreg:$0x1e]  }
0x127: {  	p0 =	sne.s32 s8, s11  }
.Ltmp2:
0x128: {  	_ = 	snop;
	(pc) =	sbr.rel @p0 .LBB2_1-.Ltmp2, $3  }
0x129: {  	_ =	sdelay $0x1  }
0x12a: {  	[sflag:s20] =	ssyncset.done $0x0  }
0x12b: {  	[sflag:s20] =	ssyncadd.s32 $0xFFFFFFF0  }
0x12c: {  	_ =	sfence.sel $0x180000  }
0x12d: {  	[bflag:$0x0] =	sbarrier.arrive $0xFFFF  }
0x12e: {  	_ =	strace $0x9000004A  }
0x12f: {  	s0 =	stileid.u32;
	[bflag:$0x2] =	sbarrier.arrive $0xFFFF  }
0x130: {  	p0 =	sne.s32 s0, $0x0;
	s0 =	rddreg [dreg:$0x4]  }
0x131: {  	s0 =	sadd.s32 @!p0 $0x100000, s0  }
0x132: {  	[sflag:s0] =	ssyncadd.tile.s32 @!p0 $0x1;
	_ =	shalt  }
.Lfunc_end2:
_tile_overlayer_lowered:
.L_overlay_start_2:
0x133: {  	(tag) =	ssettag $0x2  }
0x134: {  	s0 =	rddreg [dreg:$0x0];
	s2 =	stileid.u32  }
0x135: {  	s1 =	rddreg [dreg:$0x1];
	p0 =	sne.s32 s2, $0x0  }
0x136: {  	s3 =	rddreg [dreg:$0x2];
	[bflag:$0x3] =	sbarrier.arrive $0xFFFF;
	s2 =	simm.s32 @!p0 $0x1C07  }
0x137: {  	[timem:s3], [sflag:s2] =	dma.local @!p0 [hbm:s0], s1  }
0x138: {  	s0 =	simm.s32 @!p0 $0x7  }
0x139: {  	_ =	swait.ge @!p0 [sflag:s0], s1  }
0x13a: {  	s1 =	ssub.s32 @!p0 $0x0, s1;
	[sflag:s0] =	ssyncset.done @!p0 $0x0  }
0x13b: {  	[sflag:s0] =	ssyncadd.s32 @!p0 s1  }
0x13c: {  	[bflag:$0x3] =	sbarrier.arrive $0xFFFF  }
0x13d: {  	_ =	shalt  }

// kernel: kernel.7.cloned.1.call-start
scs
__scs_entry_jumppad:
0x0: {  	(pc) =	sbr.rel $0x88, $3  }
0x1: {  	(tag) =	ssettag $0x0;
	lr =	simm.s32 $0x1  }
0x2: {  	[smem:$0x3F97] =	sst lr;
	_ =	strace $0xD0000000  }
0x3: {  	_ = 	snop  }
0x4: {  	_ = 	snop  }
0x5: {  	_ = 	snop  }
0x6: {  	_ = 	snop  }
0x7: {  	_ = 	snop  }
__scs_overlays_trampoline_lowered:
0x8: {  	[smem:$0x3FA6] =	sst s0  }
0x9: {  	[smem:$0x3FA7] =	sst s1  }
0xa: {  	[smem:$0x3FA8] =	sst s2  }
0xb: {  	[smem:$0x3FA9] =	sst s3  }
0xc: {  	[smem:$0x3FAA] =	sst s4  }
0xd: {  	[smem:$0x3FAB] =	sst s5  }
0xe: {  	[smem:$0x3FAC] =	sst s6  }
0xf: {  	[smem:$0x3FAD] =	sst s7  }
0x10: {  	[smem:$0x3FAE] =	sst s8  }
0x11: {  	[smem:$0x3FAF] =	sst s9;
	s0 =	simm.s32 @!p0 $0x0  }
0x12: {  	s1 =	sld [smem:$0x3F95];
	s0 =	simm.s32 @p0 $0x1  }
0x13: {  	[smem:$0x3FB0] =	sst s0;
	s0 =	simm.s32 @!p1 $0x0  }
0x14: {  	s2 =	sld [smem:$0x3F94];
	s0 =	simm.s32 @p1 $0x1  }
0x15: {  	[smem:$0x3FB1] =	sst s0;
	s0 =	simm.s32 @!p2 $0x0  }
0x16: {  	s3 =	sld [smem:$0x3FDB];
	s0 =	simm.s32 @p2 $0x1  }
0x17: {  	s4 =	simm.s32 $0x1BF5;
	[smem:$0x3FB3] =	sst s0  }
0x18: {  	s0 =	sld [smem:$0x3F96];
	_ =	swait.ge [sflag:s4], $0x0  }
0x19: {  	s7 =	sld [smem:$0x3F97]  }
0x1a: {  	s8 =	sadd.s32 $0xFFFFE003, lr  }
0x1b: {  	s9 =	sadd.s32 $0xFFFFFEF7, lr;
	s5 =	simm.s32 $0xFFFFFFFF;
	p2 =	slt.u32 s8, $0xFFFFF086  }
0x1c: {  	p1 =	slt.u32 s9, $0xF7A;
	s5 =	simm.s32 @!p2 $0x0  }
0x1d: {  	s5 =	simm.s32 @p1 $0x1;
	p0 =	seq.s32 s7, s2  }
0x1e: {  	s7 =	smul.u32 @!p0 $0xF7A, s2;
	p2 =	seq.s32 @!p0 s5, $0x0  }
0x1f: {  	s9 =	smul.u32 $0xF7A, s1;
	s8 =	simm.s32 @!p0 $0x1BF5;
	p2 =	por !p2, p0  }
0x20: {  	[sflag:s8] =	ssyncset.s32 @!p0 $0xFFFFF086;
	s6 =	sadd.s32 @!p0 s3, s7;
	s7 =	simm.s32 @!p0 $0x108  }
0x21: {  	s3 =	sadd.s32 s3, s9;
	s6 =	sadd.s32 @!p0 $0x88, s6;
	s7 =	simm.s32 @p2 $0x1082  }
0x22: {  	[simem:s7], [sflag:s8] =	dma.local @!p0 [hbm:s6], $0xF7A  }
0x23: {  	s9 =	sor.u32 $0xD0000000, s2;
	s6 =	simm.s32 $0x108;
	_ =	swait.ge @!p0 [sflag:s8], $0x0  }
0x24: {  	s3 =	sadd.s32 $0x88, s3;
	s6 =	simm.s32 @!p1 $0x1082;
	[sflag:s4] =	ssyncset.s32 $0xFFFFF086  }
0x25: {  	[simem:s6], [sflag:s4] =	dma.local [hbm:s3], $0xF7A  }
0x26: {  	[smem:$0x3F97] =	sst s1;
	(tag) =	ssettag s2;
	_ =	strace s9  }
0x27: {  	s1 =	sld [smem:$0x3FA7]  }
0x28: {  	s2 =	sld [smem:$0x3FA8]  }
0x29: {  	s4 =	sld [smem:$0x3FAA]  }
0x2a: {  	p0 =	seq.s32 s5, $0x0;
	s5 =	sld [smem:$0x3FAB]  }
0x2b: {  	s6 =	sld [smem:$0x3FAC]  }
0x2c: {  	s7 =	sld [smem:$0x3FAD]  }
0x2d: {  	s3 =	simm.s32 $0x108;
	s8 =	sld [smem:$0x3FAE]  }
0x2e: {  	s3 =	simm.s32 @!p0 $0x1082;
	s9 =	sld [smem:$0x3FAF]  }
0x2f: {  	lr =	sadd.s32 s0, s3;
	s0 =	sld [smem:$0x3FA6]  }
0x30: {  	s3 =	sld [smem:$0x3FA9]  }
0x31: {  	[smem:$0x3FB2] =	sst s10  }
0x32: {  	s10 =	sld [smem:$0x3FB0];
	_ =	sdelay $0x3  }
0x33: {  	p0 =	seq.s32 s10, $0x1;
	s10 =	sld [smem:$0x3FB2];
	_ =	sdelay $0x3  }
0x34: {  	[smem:$0x3FB2] =	sst s10  }
0x35: {  	s10 =	sld [smem:$0x3FB1];
	_ =	sdelay $0x3  }
0x36: {  	p1 =	seq.s32 s10, $0x1;
	s10 =	sld [smem:$0x3FB2];
	_ =	sdelay $0x3  }
0x37: {  	[smem:$0x3FB2] =	sst s10  }
0x38: {  	s10 =	sld [smem:$0x3FB3]  }
0x39: {  	_ = 	snop;
	(pc) =	sbr.ind lr, $3  }
0x3a: {  	_ = 	snop  }
0x3b: {  	_ = 	snop  }
0x3c: {  	p2 =	seq.s32 s10, $0x1;
	s10 =	sld [smem:$0x3FB2]  }
0x3d: {  	_ =	shalt  }
0x3e: {  	_ =	shalt  }
0x3f: {  	_ =	shalt  }
0x40: {  	_ =	shalt  }
0x41: {  	_ =	shalt  }
0x42: {  	_ =	shalt  }
0x43: {  	_ =	shalt  }
0x44: {  	_ =	shalt  }
0x45: {  	_ =	shalt  }
0x46: {  	_ =	shalt  }
0x47: {  	_ =	shalt  }
0x48: {  	_ =	shalt  }
0x49: {  	_ =	shalt  }
0x4a: {  	_ =	shalt  }
0x4b: {  	_ =	shalt  }
0x4c: {  	_ =	shalt  }
0x4d: {  	_ =	shalt  }
0x4e: {  	_ =	shalt  }
0x4f: {  	_ =	shalt  }
0x50: {  	_ =	shalt  }
0x51: {  	_ =	shalt  }
0x52: {  	_ =	shalt  }
0x53: {  	_ =	shalt  }
0x54: {  	_ =	shalt  }
0x55: {  	_ =	shalt  }
0x56: {  	_ =	shalt  }
0x57: {  	_ =	shalt  }
0x58: {  	_ =	shalt  }
0x59: {  	_ =	shalt  }
0x5a: {  	_ =	shalt  }
0x5b: {  	_ =	shalt  }
0x5c: {  	_ =	shalt  }
0x5d: {  	_ =	shalt  }
0x5e: {  	_ =	shalt  }
0x5f: {  	_ =	shalt  }
0x60: {  	_ =	shalt  }
0x61: {  	_ =	shalt  }
0x62: {  	_ =	shalt  }
0x63: {  	_ =	shalt  }
0x64: {  	_ =	shalt  }
0x65: {  	_ =	shalt  }
0x66: {  	_ =	shalt  }
0x67: {  	_ =	shalt  }
0x68: {  	_ =	shalt  }
0x69: {  	_ =	shalt  }
0x6a: {  	_ =	shalt  }
0x6b: {  	_ =	shalt  }
0x6c: {  	_ =	shalt  }
0x6d: {  	_ =	shalt  }
0x6e: {  	_ =	shalt  }
0x6f: {  	_ =	shalt  }
0x70: {  	_ =	shalt  }
0x71: {  	_ =	shalt  }
0x72: {  	_ =	shalt  }
0x73: {  	_ =	shalt  }
0x74: {  	_ =	shalt  }
0x75: {  	_ =	shalt  }
0x76: {  	_ =	shalt  }
0x77: {  	_ =	shalt  }
0x78: {  	_ =	shalt  }
0x79: {  	_ =	shalt  }
0x7a: {  	_ =	shalt  }
0x7b: {  	_ =	shalt  }
0x7c: {  	_ =	shalt  }
0x7d: {  	_ =	shalt  }
0x7e: {  	_ =	shalt  }
0x7f: {  	_ =	shalt  }
0x80: {  	_ =	shalt  }
0x81: {  	_ =	shalt  }
0x82: {  	_ =	shalt  }
0x83: {  	_ =	shalt  }
0x84: {  	_ =	shalt  }
0x85: {  	_ =	shalt  }
0x86: {  	_ =	shalt  }
0x87: {  	_ =	shalt  }
.Lfunc_end0:
.L_simem_size_0:
called_computation_lowered:
.L_overlay_start_0:
0x88: {  	s2 =	sld [smem:$0x3FD9]  }
0x89: {  	s3 =	sld [smem:$0x3FFE];
	_ =	sdelay $0x1  }
0x8a: {  	s1 =	srdreg.scid  }
0x8b: {  	s0 =	sand.u32 $0x1, s1  }
0x8c: {  	s17 =	sshll.u32 s0, $0xA;
	s2 =	sadd.s32 s3, s2  }
0x8d: {  	s2 =	sadd.s32 s2, s17  }
0x8e: {  	[smem:$0x3FBE] =	sst s2  }
0x8f: {  	_ = 	snop  }
0x90: {  	s2 =	sld [smem:$0x3FD0];
	(tm) =	ssettm $0x1  }
0x91: {  	s18 =	sld [smem:$0x3FFB];
	_ =	sdelay $0x3  }
0x92: {  	_ =	strace s18  }
0x93: {  	s3 =	sld [smem:$0x3FFC];
	_ =	sdelay $0x3  }
0x94: {  	_ =	strace s3  }
0x95: {  	s3 =	sld [smem:$0x3FFD];
	_ =	sdelay $0x3  }
0x96: {  	_ =	strace s3  }
0x97: {  	_ =	strace $0x8FFFFFFF  }
0x98: {  	s19 =	sld [smem:$0x3FDB];
	_ =	sdelay $0x1  }
0x99: {  	s4 =	simm.s32 $_scs_section_size  }
0x9a: {  	s5 =	simm.s32 $_size__tile_overlayer_lowered;
	s6 =	simm.s32 $_tile_overlayer_lowered  }
0x9b: {  	s22 =	simm.s32 $0x1BFF;
	s21 =	sshll.u32 s6, $0x1;
	s3 =	sadd.s32 s4, s19  }
0x9c: {  	s7 =	simm.s32 $0x0;
	s20 =	sshll.u32 s5, $0x1;
	s5 =	sadd.s32 s21, s3  }
0x9d: {  	[timem:s7], [sflag:s22] =	dma.local [hbm:s5], s20  }
0x9e: {  	_ =	swait.ge [sflag:s22], s20  }
0x9f: {  	s4 =	ssub.s32 $0x0, s20;
	[sflag:s22] =	ssyncset.done $0x0  }
0xa0: {  	[sflag:s22] =	ssyncadd.s32 s4;
	_ =	sdelay $0x1  }
0xa1: {  	s23 =	simm.s32 $0x1B8B  }
0xa2: {  	_ =	swait.ge [sflag:s23], $0x1  }
0xa3: {  	[sflag:s23] =	ssyncset.done $0x0  }
0xa4: {  	s25 =	simm.s32 $0x1B8E;
	s24 =	sld [smem:$0x3FFE];
	[sflag:s23] =	ssyncadd.s32 $0xFFFFFFFF  }
0xa5: {  	s26 =	simm.s32 $execute0_lowered;
	[smem:$0x3FD2] =	sst s25  }
0xa6: {  	s5 =	sshll.u32 s26, $0x1;
	_ =	strace $0x80000046;
	[dreg:$0x1] =	wrdreg $0xFFFFFFFF  }
0xa7: {  	s28 =	simm.s32 $_size_execute0_lowered;
	s3 =	sadd.s32 s3, s5;
	[dreg:$0x0] =	wrdreg $0x0  }
0xa8: {  	s5 =	sshll.u32 s28, $0x1;
	[dreg:$0x2] =	wrdreg s3  }
0xa9: {  	[dreg:$0x3] =	wrdreg s5  }
0xaa: {  	[dreg:$0x4] =	wrdreg $0xC0  }
0xab: {  	_ =	task [dreg:s7], $0x5FFFF  }
0xac: {  	[dreg:$0x1] =	wrdreg $0xFFFFFFFF  }
0xad: {  	[dreg:$0x0] =	wrdreg $0x60  }
0xae: {  	[dreg:$0x2] =	wrdreg s2  }
0xaf: {  	[dreg:$0x3] =	wrdreg s24  }
0xb0: {  	[dreg:$0x4] =	wrdreg $0x9  }
0xb1: {  	_ =	task.clear_ibuf [dreg:s7], $0x5FFFF;
	_ =	strace $0x90000046  }
0xb2: {  	s29 =	simm.s32 $0x9;
	_ =	strace $0x80000048  }
0xb3: {  	_ =	swait.ge [sflag:s29], $0x1  }
0xb4: {  	[sflag:s29] =	ssyncadd.s32 $0xFFFFFFFF  }
0xb5: {  	_ =	strace $0x90000048  }
0xb6: {  	_ =	sfence  }
0xb7: {  	s30 =	sld [smem:$0x0];
	_ =	sdelay $0x2  }
0xb8: {  	s31 =	sshll.u32 s1, $0xD;
	s1 =	sshrl.u32 s1, $0x2  }
0xb9: {  	s3 =	sand.u32 $0x4000, s31;
	s1 =	sadd.s32 s1, s30  }
0xba: {  	s0 =	sor.u32 s3, s0;
	s1 =	sshll.u32 s1, $0x11  }
0xbb: {  	s0 =	sor.u32 s1, s0  }
0xbc: {  	s0 =	sadd.s32 $0x8F2B, s0  }
0xbd: {  	[sflag:s0] =	ssyncadd.remote.s32 $0x1  }
0xbe: {  	_ =	sfence.sel $0xFFFF  }
0xbf: {  	[dreg:$0x0] =	wrdreg $0xFFFFFFFF;
	(pc) =	sbr.abs _section_cstart, $3  }
0xc0: {  	[dreg:$0x1] =	wrdreg $0xFFFFFFFF  }
0xc1: {  	_ =	task.clear_ibuf [dreg:s7], $0x2FFFF;
	_ =	strace $0x9FFFFFFF  }
0xc2: {  	(tm) =	ssettm $0x7FFFFFFF  }
0xc3: {  	_ =	shalt  }
tec
execute0_lowered:
.L_overlay_start_1:
0x0: {  	(tag) =	ssettag $0x1  }
0x1: {  	s1 =	rddreg [dreg:$0x0]  }
0x2: {  	s5 =	rddreg [dreg:$0x1]  }
0x3: {  	s0 =	rddreg [dreg:$0x2]  }
0x4: {  	s3 =	simm.s32 $0x0;
	s4 =	srdreg.scid;
	s2 =	stileid.u32  }
0x5: {  	s10 =	simm.s32 $0x7;
	s11 =	simm.s32 $0x8000;
	s12 =	simm.s32 $0x28  }
0x6: {  	s13 =	simm.s32 $0x10000;
	s14 =	simm.s32 $0x11400;
	s15 =	simm.s32 $0x1  }
0x7: {  	s16 =	simm.s32 $0x2;
	s17 =	simm.s32 $0x12800;
	s18 =	simm.s32 $0x13C00  }
0x8: {  	s19 =	simm.s32 $0x3;
	s20 =	simm.s32 $0x4;
	s21 =	simm.s32 $0x5  }
0x9: {  	s22 =	simm.s32 $0x6;
	s23 =	simm.s32 $0x0;
	[smem:$0x7FF] =	sst s3  }
0xa: {  	s4 =	sand.u32 $0x1, s4;
	s6 =	sshll.u32 s2, $0x1;
	_ =	strace $0x80000047  }
0xb: {  	s8 =	sor.u32 s4, s6;
	s31 =	ssub.s32 $0x2, s4;
	s4 =	sadd.s32 $0x42800, s5  }
0xc: {  	s7 =	sshll.u32 s8, $0xC;
	s9 =	sshrl.u32 s31, $0x1;
	s8 =	smul.u32 $0x2710, s8  }
0xd: {  	s7 =	sadd.s32 s7, s5;
	s5 =	sadd.s32 $0x69A00, s5;
	s9 =	ssub.s32 s31, s9  }
0xe: {  	s6 =	sadd.s32 $0x2800, s7;
	s7 =	sadd.s32 $0x22800, s7;
	s9 =	smax.u32 s9, $0x1  }
.LBB2_1:
0xf: {  	[tilespmem:s3], [sflag:$0x7] =	stream.linear.gather [hbm4b:s6+s3], $0x7D00, $0x38;
	[tilespmem:$0x15000] =	vst v63  }
0x10: {  	_ =	swait.ge [sflag:s10], $0x7D00  }
0x11: {  	[sflag:s10] =	ssyncset.done $0x0  }
0x12: {  	[sflag:s10] =	ssyncadd.s32 $0xFFFF8300  }
0x13: {  	[tilespmem:s11], [sflag:$0x7] =	stream.linear.gather [hbm4b:s7+s3], $0x7D00, $0x38;
	[tilespmem:$0x15000] =	vst v63  }
0x14: {  	_ =	swait.ge [sflag:s10], $0x7D00  }
0x15: {  	[sflag:s10] =	ssyncset.done $0x0  }
0x16: {  	[sflag:s10] =	ssyncadd.s32 $0xFFFF8300  }
0x17: {  	[tilespmem:s13], [sflag:$0x1] =	stream.indirect.gather [hbm4b:s1+s12], $0x80, s3, s12, $0xb8;
	[tilespmem:$0x15000] =	vst v63  }
0x18: {  	s24 =	simm.s32 $0x0  }
0x19: {  	[tilespmem:s14], [sflag:$0x2] =	stream.indirect.gather [hbm4b:s4+s12], $0x80, s11, s12, $0xb8;
	[tilespmem:$0x15000] =	vst v63  }
.LBB2_2:
0x1a: {  	_ =	swait.ge [sflag:s15], $0x1400  }
0x1b: {  	[sflag:s15] =	ssyncset.done $0x0  }
0x1c: {  	[sflag:s15] =	ssyncadd.s32 $0xFFFFEC00  }
0x1d: {  	_ =	swait.ge [sflag:s16], $0x1400  }
0x1e: {  	p0 =	seq.s32 s24, $0x0;
	[sflag:s16] =	ssyncset.done $0x0  }
0x1f: {  	s26 =	simm.s32 @!p0 $0x6;
	[sflag:s16] =	ssyncadd.s32 $0xFFFFEC00  }
0x20: {  	s25 =	sshll.u32 s24, $0x1;
	_ =	swait.ge @!p0 [sflag:s26], $0x1400  }
0x21: {  	s25 =	sor.u32 $0x1, s25;
	[sflag:s26] =	ssyncset.done @!p0 $0x0  }
0x22: {  	s31 =	sshll.u32 s25, $0x7;
	[sflag:s26] =	ssyncadd.s32 @!p0 $0xFFFFEC00  }
0x23: {  	[tilespmem:s17], [sflag:$0x3] =	stream.indirect.gather [hbm4b:s1+s12], $0x80, s31, s12, $0xb8;
	[tilespmem:$0x15000] =	vst v63  }
0x24: {  	s26 =	sadd.s32 $0x8000, s31  }
0x25: {  	[tilespmem:s18], [sflag:$0x4] =	stream.indirect.gather [hbm4b:s4+s12], $0x80, s26, s12, $0xb8;
	[tilespmem:$0x15000] =	vst v63  }
0x26: {  	s26 =	simm.s32 $0x0  }
0x27: {  	v6 =	vld [tilespmem:s26+$0x11400]  }
0x28: {  	v11 =	vld [tilespmem:s26+$0x11410]  }
0x29: {  	v5 =	vld [tilespmem:s26+$0x11420]  }
0x2a: {  	v4 =	vld [tilespmem:s26+$0x11430]  }
0x2b: {  	v3 =	vld [tilespmem:s26+$0x11440]  }
0x2c: {  	v2 =	vld [tilespmem:s26+$0x11450]  }
0x2d: {  	v1 =	vld [tilespmem:s26+$0x11460]  }
0x2e: {  	v0 =	vld [tilespmem:s26+$0x11470]  }
0x2f: {  	v12 =	vld [tilespmem:s26+$0x10000]  }
0x30: {  	v13 =	vld [tilespmem:s26+$0x10010]  }
0x31: {  	v10 =	vld [tilespmem:s26+$0x10020]  }
0x32: {  	v9 =	vld [tilespmem:s26+$0x10030]  }
0x33: {  	v8 =	vld [tilespmem:s26+$0x10040]  }
0x34: {  	v7 =	vld [tilespmem:s26+$0x10050];
	v12 =	vadd.f32 v6, v12  }
0x35: {  	s28 =	simm.s32 $0x200;
	v11 =	vadd.f32 v11, v13;
	v6 =	vld [tilespmem:s26+$0x10060]  }
.LBB2_3:
0x36: {  	s29 =	sshra.s32 s28, $0x2;
	p0 =	sne.s32 s28, $0x4E00;
	[tilespmem:s26+$0x10000] =	vst v12;
	v5 =	vadd.f32 v5, v10;
	v10 =	vld [tilespmem:s26+$0x10070]  }
0x37: {  	v12 =	vld [tilespmem:s29+$0x11400];
	[tilespmem:s26+$0x10010] =	vst v11;
	v4 =	vadd.f32 v4, v9  }
0x38: {  	v11 =	vld [tilespmem:s29+$0x11410];
	[tilespmem:s26+$0x10020] =	vst v5;
	v3 =	vadd.f32 v3, v8  }
0x39: {  	v5 =	vld [tilespmem:s29+$0x11420];
	[tilespmem:s26+$0x10030] =	vst v4;
	v2 =	vadd.f32 v2, v7  }
0x3a: {  	v4 =	vld [tilespmem:s29+$0x11430];
	[tilespmem:s26+$0x10040] =	vst v3;
	v1 =	vadd.f32 v1, v6  }
0x3b: {  	v3 =	vld [tilespmem:s29+$0x11440];
	[tilespmem:s26+$0x10050] =	vst v2;
	v0 =	vadd.f32 v0, v10  }
0x3c: {  	v2 =	vld [tilespmem:s29+$0x11450];
	[tilespmem:s26+$0x10060] =	vst v1  }
0x3d: {  	v1 =	vld [tilespmem:s29+$0x11460];
	[tilespmem:s26+$0x10070] =	vst v0;
	s26 =	smov.u32 s29  }
0x3e: {  	v0 =	vld [tilespmem:s26+$0x11470]  }
0x3f: {  	v6 =	vld [tilespmem:s26+$0x10000]  }
0x40: {  	v13 =	vld [tilespmem:s26+$0x10010]  }
.Ltmp0:
0x41: {  	v10 =	vld [tilespmem:s26+$0x10020];
	(pc) =	sbr.rel @p0 .LBB2_3-.Ltmp0, $4  }
0x42: {  	v9 =	vld [tilespmem:s26+$0x10030]  }
0x43: {  	v8 =	vld [tilespmem:s26+$0x10040]  }
0x44: {  	v12 =	vadd.f32 v12, v6;
	v7 =	vld [tilespmem:s26+$0x10050]  }
0x45: {  	s28 =	sadd.s32 $0x200, s28;
	v11 =	vadd.f32 v11, v13;
	v6 =	vld [tilespmem:s26+$0x10060]  }
0x46: {  	[tilespmem:s26+$0x10000] =	vst v12;
	v5 =	vadd.f32 v5, v10;
	v10 =	vld [tilespmem:s26+$0x10070]  }
0x47: {  	[tilespmem:s26+$0x10010] =	vst v11;
	v4 =	vadd.f32 v4, v9  }
0x48: {  	[tilespmem:s26+$0x10020] =	vst v5;
	v3 =	vadd.f32 v3, v8  }
0x49: {  	s28 =	smul.u32 $0x50, s24;
	[tilespmem:s26+$0x10030] =	vst v4;
	v2 =	vadd.f32 v2, v7  }
0x4a: {  	[tilespmem:s26+$0x10040] =	vst v3;
	v1 =	vadd.f32 v1, v6  }
0x4b: {  	s28 =	sadd.s32 s8, s28;
	[tilespmem:s26+$0x10050] =	vst v2;
	v0 =	vadd.f32 v0, v10  }
0x4c: {  	s28 =	sshll.u32 s28, $0x4;
	[tilespmem:s26+$0x10060] =	vst v1  }
0x4d: {  	s31 =	sadd.s32 s5, s28;
	[tilespmem:s26+$0x10070] =	vst v0  }
0x4e: {  	[hbm4b:s31+s3] =	stream.linear.scatter [tilespmem:s13], [sflag:$0x5], $0x1400, $0x38;
	[tilespmem:$0x15000] =	vst v63  }
0x4f: {  	_ =	swait.ge [sflag:s19], $0x1400  }
0x50: {  	[sflag:s19] =	ssyncset.done $0x0  }
0x51: {  	[sflag:s19] =	ssyncadd.s32 $0xFFFFEC00  }
0x52: {  	_ =	swait.ge [sflag:s20], $0x1400  }
0x53: {  	[sflag:s20] =	ssyncset.done $0x0  }
0x54: {  	[sflag:s20] =	ssyncadd.s32 $0xFFFFEC00  }
0x55: {  	p0 =	seq.s32 s24, $0x7C;
	_ =	swait.ge [sflag:s21], $0x1400  }
0x56: {  	s29 =	simm.s32 @!p0 $0x28;
	s26 =	sshll.u32 @!p0 s24, $0x8;
	[sflag:s21] =	ssyncset.done $0x0  }
0x57: {  	s30 =	simm.s32 @!p0 $0x10000;
	s28 =	sadd.s32 @!p0 $0x100, s26;
	[sflag:s21] =	ssyncadd.s32 $0xFFFFEC00  }
0x58: {  	[tilespmem:s30], [sflag:$0x1] =	stream.indirect.gather @!p0 [hbm4b:s1+s29], $0x80, s28, s29, $0xb8;
	[tilespmem:$0x15000] =	vst v63  }
0x59: {  	s26 =	sadd.s32 @!p0 $0x8100, s26;
	s28 =	simm.s32 @!p0 $0x11400  }
0x5a: {  	[tilespmem:s28], [sflag:$0x2] =	stream.indirect.gather @!p0 [hbm4b:s4+s29], $0x80, s26, s29, $0xb8;
	[tilespmem:$0x15000] =	vst v63  }
0x5b: {  	s26 =	simm.s32 $0x0  }
0x5c: {  	v6 =	vld [tilespmem:s26+$0x13C00]  }
0x5d: {  	v11 =	vld [tilespmem:s26+$0x13C10]  }
0x5e: {  	v5 =	vld [tilespmem:s26+$0x13C20]  }
0x5f: {  	v4 =	vld [tilespmem:s26+$0x13C30]  }
0x60: {  	v3 =	vld [tilespmem:s26+$0x13C40]  }
0x61: {  	v2 =	vld [tilespmem:s26+$0x13C50]  }
0x62: {  	v1 =	vld [tilespmem:s26+$0x13C60]  }
0x63: {  	v0 =	vld [tilespmem:s26+$0x13C70]  }
0x64: {  	v12 =	vld [tilespmem:s26+$0x12800]  }
0x65: {  	v13 =	vld [tilespmem:s26+$0x12810]  }
0x66: {  	v10 =	vld [tilespmem:s26+$0x12820]  }
0x67: {  	v9 =	vld [tilespmem:s26+$0x12830]  }
0x68: {  	v8 =	vld [tilespmem:s26+$0x12840]  }
0x69: {  	v7 =	vld [tilespmem:s26+$0x12850];
	v12 =	vadd.f32 v6, v12  }
0x6a: {  	s28 =	simm.s32 $0x200;
	v11 =	vadd.f32 v11, v13;
	v6 =	vld [tilespmem:s26+$0x12860]  }
.LBB2_5:
0x6b: {  	s29 =	sshra.s32 s28, $0x2;
	p0 =	sne.s32 s28, $0x4E00;
	[tilespmem:s26+$0x12800] =	vst v12;
	v5 =	vadd.f32 v5, v10;
	v10 =	vld [tilespmem:s26+$0x12870]  }
0x6c: {  	v12 =	vld [tilespmem:s29+$0x13C00];
	[tilespmem:s26+$0x12810] =	vst v11;
	v4 =	vadd.f32 v4, v9  }
0x6d: {  	v11 =	vld [tilespmem:s29+$0x13C10];
	[tilespmem:s26+$0x12820] =	vst v5;
	v3 =	vadd.f32 v3, v8  }
0x6e: {  	v5 =	vld [tilespmem:s29+$0x13C20];
	[tilespmem:s26+$0x12830] =	vst v4;
	v2 =	vadd.f32 v2, v7  }
0x6f: {  	v4 =	vld [tilespmem:s29+$0x13C30];
	[tilespmem:s26+$0x12840] =	vst v3;
	v1 =	vadd.f32 v1, v6  }
0x70: {  	v3 =	vld [tilespmem:s29+$0x13C40];
	[tilespmem:s26+$0x12850] =	vst v2;
	v0 =	vadd.f32 v0, v10  }
0x71: {  	v2 =	vld [tilespmem:s29+$0x13C50];
	[tilespmem:s26+$0x12860] =	vst v1  }
0x72: {  	v1 =	vld [tilespmem:s29+$0x13C60];
	[tilespmem:s26+$0x12870] =	vst v0;
	s26 =	smov.u32 s29  }
0x73: {  	v0 =	vld [tilespmem:s26+$0x13C70]  }
0x74: {  	v6 =	vld [tilespmem:s26+$0x12800]  }
0x75: {  	v13 =	vld [tilespmem:s26+$0x12810]  }
.Ltmp1:
0x76: {  	v10 =	vld [tilespmem:s26+$0x12820];
	(pc) =	sbr.rel @p0 .LBB2_5-.Ltmp1, $4  }
0x77: {  	v9 =	vld [tilespmem:s26+$0x12830]  }
0x78: {  	v8 =	vld [tilespmem:s26+$0x12840]  }
0x79: {  	v12 =	vadd.f32 v12, v6;
	v7 =	vld [tilespmem:s26+$0x12850]  }
0x7a: {  	s28 =	sadd.s32 $0x200, s28;
	v11 =	vadd.f32 v11, v13;
	v6 =	vld [tilespmem:s26+$0x12860]  }
0x7b: {  	[tilespmem:s26+$0x12800] =	vst v12;
	v5 =	vadd.f32 v5, v10;
	v63 =	vld [tilespmem:s26+$0x12870]  }
0x7c: {  	[tilespmem:s26+$0x12810] =	vst v11;
	v4 =	vadd.f32 v4, v9  }
0x7d: {  	s24 =	sadd.s32 $0x1, s24;
	[tilespmem:s26+$0x12820] =	vst v5;
	v3 =	vadd.f32 v3, v8  }
0x7e: {  	s25 =	smul.u32 $0x28, s25;
	p0 =	sne.s32 s24, $0x7D;
	[tilespmem:s26+$0x12830] =	vst v4;
	v2 =	vadd.f32 v2, v7  }
.Ltmp2:
0x7f: {  	[tilespmem:s26+$0x12840] =	vst v3;
	v1 =	vadd.f32 v1, v6;
	(pc) =	sbr.rel @p0 .LBB2_2-.Ltmp2, $4  }
0x80: {  	s25 =	sadd.s32 s8, s25;
	[tilespmem:s26+$0x12850] =	vst v2;
	v0 =	vadd.f32 v0, v63  }
0x81: {  	s25 =	sshll.u32 s25, $0x4;
	[tilespmem:s26+$0x12860] =	vst v1  }
0x82: {  	s25 =	sadd.s32 s5, s25;
	[tilespmem:s26+$0x12870] =	vst v0  }
0x83: {  	[hbm4b:s25+s3] =	stream.linear.scatter [tilespmem:s17], [sflag:$0x6], $0x1400, $0x38;
	[tilespmem:$0x15000] =	vst v63  }
0x84: {  	s23 =	sadd.s32 $0x1, s23  }
0x85: {  	p0 =	sne.s32 s23, s9  }
.Ltmp3:
0x86: {  	_ = 	snop;
	(pc) =	sbr.rel @p0 .LBB2_1-.Ltmp3, $4  }
0x87: {  	_ = 	snop  }
0x88: {  	_ =	swait.ge [sflag:s22], $0x1400  }
0x89: {  	[sflag:s22] =	ssyncset.done $0x0  }
0x8a: {  	[sflag:s22] =	ssyncadd.s32 $0xFFFFEC00  }
0x8b: {  	_ =	sfence.sel $0x180000  }
0x8c: {  	[bflag:$0x0] =	sbarrier.arrive $0xFFFF  }
0x8d: {  	p0 =	sne.s32 s2, $0x0;
	_ =	strace $0x90000047  }
0x8e: {  	s0 =	sadd.s32 @!p0 $0x100000, s0;
	[bflag:$0x2] =	sbarrier.arrive $0xFFFF  }
0x8f: {  	[sflag:s0] =	ssyncadd.tile.s32 @!p0 $0x1;
	_ =	shalt  }
.Lfunc_end2:
_tile_overlayer_lowered:
.L_overlay_start_2:
0x90: {  	(tag) =	ssettag $0x2  }
0x91: {  	s0 =	rddreg [dreg:$0x0];
	s2 =	stileid.u32  }
0x92: {  	s1 =	rddreg [dreg:$0x1];
	p0 =	sne.s32 s2, $0x0  }
0x93: {  	s3 =	rddreg [dreg:$0x2];
	[bflag:$0x3] =	sbarrier.arrive $0xFFFF;
	s2 =	simm.s32 @!p0 $0x1C07  }
0x94: {  	[timem:s3], [sflag:s2] =	dma.local @!p0 [hbm:s0], s1  }
0x95: {  	s0 =	simm.s32 @!p0 $0x7  }
0x96: {  	_ =	swait.ge @!p0 [sflag:s0], s1  }
0x97: {  	s1 =	ssub.s32 @!p0 $0x0, s1;
	[sflag:s0] =	ssyncset.done @!p0 $0x0  }
0x98: {  	[sflag:s0] =	ssyncadd.s32 @!p0 s1  }
0x99: {  	[bflag:$0x3] =	sbarrier.arrive $0xFFFF  }
0x9a: {  	_ =	shalt  }

</sc_bundles>
